<compile_context>
chip_gen: v7x
topology: tpu7x:2x2x1
jax: 0.10.2.dev20260603
libtpu: 0.0.44.dev20260713+nightly
codegen_flags: <defaults>
</compile_context>

<pallas_src>
import functools

import jax
import jax.numpy as jnp
from jax import lax
from jax.experimental import pallas as pl
from jax.experimental.pallas import tpu as pltpu
from jax.experimental.pallas import tpu_sc as plsc

N = 10000
D = 128
E = 320000
NC, NS = 2, 16
NW = NC * NS
K = 192
NB = 2
EPT = 10368
E_PAD = NW * EPT
CH = EPT // K
RPT = N // NS
N_PAD = N + 16
SINK = N
TB = 1000


def _vector_mesh():
    return plsc.VectorSubcoreMesh(core_axis_name="c", subcore_axis_name="s")


_SC_PARAMS = pltpu.CompilerParams(use_tc_tiling_on_sc=False)



def _dis_block(da_ref, db_ref):
    deg = da_ref[:, 0:1] + db_ref[:, 0:1] + 1.0
    return lax.rsqrt(deg)


def _tc_matmul(x, w):
    def body(x_ref, w_ref, o_ref):
        o_ref[...] = jnp.dot(x_ref[...], w_ref[...],
                             preferred_element_type=jnp.float32)
    return pl.pallas_call(
        body,
        grid=(N // TB,),
        in_specs=[pl.BlockSpec((TB, D), lambda i: (i, 0)),
                  pl.BlockSpec((D, D), lambda i: (0, 0))],
        out_specs=pl.BlockSpec((TB, D), lambda i: (i, 0)),
        out_shape=jax.ShapeDtypeStruct((N, D), jnp.float32),
    )(x, w)


def _tc_scale(xw, deg_a, deg_b):
    def body(x_ref, da_ref, db_ref, o_ref):
        o_ref[...] = x_ref[...] * _dis_block(da_ref, db_ref)
    return pl.pallas_call(
        body,
        grid=(N // TB,),
        in_specs=[pl.BlockSpec((TB, D), lambda i: (i, 0)),
                  pl.BlockSpec((TB, 16), lambda i: (i, 0)),
                  pl.BlockSpec((TB, 16), lambda i: (i, 0))],
        out_specs=pl.BlockSpec((TB, D), lambda i: (i, 0)),
        out_shape=jax.ShapeDtypeStruct((N, D), jnp.float32),
    )(xw, deg_a, deg_b)


def _tc_mid(acc_a, acc_b, deg_a, deg_b, b1, w2):
    def body(aa_ref, ab_ref, da_ref, db_ref, b_ref, w_ref, o_ref):
        dis = _dis_block(da_ref, db_ref)
        h = jnp.maximum(dis * (aa_ref[...] + ab_ref[...]) + b_ref[...], 0.0)
        o_ref[...] = jnp.dot(h, w_ref[...],
                             preferred_element_type=jnp.float32) * dis
    return pl.pallas_call(
        body,
        grid=(N // TB,),
        in_specs=[pl.BlockSpec((TB, D), lambda i: (i, 0)),
                  pl.BlockSpec((TB, D), lambda i: (i, 0)),
                  pl.BlockSpec((TB, 16), lambda i: (i, 0)),
                  pl.BlockSpec((TB, 16), lambda i: (i, 0)),
                  pl.BlockSpec((1, D), lambda i: (0, 0)),
                  pl.BlockSpec((D, D), lambda i: (0, 0))],
        out_specs=pl.BlockSpec((TB, D), lambda i: (i, 0)),
        out_shape=jax.ShapeDtypeStruct((N, D), jnp.float32),
    )(acc_a, acc_b, deg_a, deg_b, b1.reshape(1, D), w2)


def _tc_final(acc_a, acc_b, deg_a, deg_b, b2):
    def body(aa_ref, ab_ref, da_ref, db_ref, b_ref, o_ref):
        dis = _dis_block(da_ref, db_ref)
        o_ref[...] = dis * (aa_ref[...] + ab_ref[...]) + b_ref[...]
    return pl.pallas_call(
        body,
        grid=(N // TB,),
        in_specs=[pl.BlockSpec((TB, D), lambda i: (i, 0)),
                  pl.BlockSpec((TB, D), lambda i: (i, 0)),
                  pl.BlockSpec((TB, 16), lambda i: (i, 0)),
                  pl.BlockSpec((TB, 16), lambda i: (i, 0)),
                  pl.BlockSpec((1, D), lambda i: (0, 0))],
        out_specs=pl.BlockSpec((TB, D), lambda i: (i, 0)),
        out_shape=jax.ShapeDtypeStruct((N, D), jnp.float32),
    )(acc_a, acc_b, deg_a, deg_b, b2.reshape(1, D))



def _sc_degree(dst, zeros16, ones16):
    @functools.partial(
        pl.kernel,
        out_type=[jax.ShapeDtypeStruct((N, 16), jnp.float32),
                  jax.ShapeDtypeStruct((N, 16), jnp.float32)],
        mesh=_vector_mesh(),
        scratch_types=[
            pltpu.VMEM_SHARED((N_PAD, 16), jnp.float32),
            pltpu.VMEM((K,), jnp.int32),
            pltpu.VMEM((K, 16), jnp.float32),
            pltpu.SemaphoreType.DMA,
        ],
        compiler_params=_SC_PARAMS,
    )
    def deg_kernel(dst_hbm, z_hbm, ones_hbm, dega_hbm, degb_hbm,
                   deg_sh, idx_v, ones_v, sem):
        c = lax.axis_index("c")
        s = lax.axis_index("s")
        pltpu.sync_copy(z_hbm, deg_sh.at[pl.ds(s * RPT, RPT)])
        pltpu.sync_copy(ones_hbm, ones_v)
        plsc.subcore_barrier()
        base = (c * NS + s) * EPT

        @pl.loop(0, CH)
        def _(g):
            pltpu.sync_copy(dst_hbm.at[pl.ds(base + g * K, K)], idx_v)
            pltpu.sync_copy(ones_v, deg_sh.at[idx_v], add=True)

        plsc.subcore_barrier()

        @pl.when(c == 0)
        def _():
            pltpu.sync_copy(deg_sh.at[pl.ds(s * RPT, RPT)],
                            dega_hbm.at[pl.ds(s * RPT, RPT)])

        @pl.when(c == 1)
        def _():
            pltpu.sync_copy(deg_sh.at[pl.ds(s * RPT, RPT)],
                            degb_hbm.at[pl.ds(s * RPT, RPT)])

    return deg_kernel(dst, zeros16, ones16)


def _sc_gather_scatter(y, src, dst, zeros128):
    @functools.partial(
        pl.kernel,
        out_type=[jax.ShapeDtypeStruct((N, D), jnp.float32),
                  jax.ShapeDtypeStruct((N, D), jnp.float32)],
        mesh=_vector_mesh(),
        scratch_types=(
            [pltpu.VMEM_SHARED((N_PAD, D), jnp.float32)]
            + [pltpu.VMEM((K,), jnp.int32) for _ in range(2 * NB)]
            + [pltpu.VMEM((K, D), jnp.float32) for _ in range(NB)]
            + [pltpu.SemaphoreType.DMA for _ in range(NB)]
        ),
        compiler_params=_SC_PARAMS,
    )
    def gs_kernel(y_hbm, src_hbm, dst_hbm, z_hbm, acca_hbm, accb_hbm,
                  acc_sh, *ring):
        sidx = ring[0:2 * NB:2]
        didx = ring[1:2 * NB:2]
        bufs = ring[2 * NB:3 * NB]
        sems = ring[3 * NB:4 * NB]
        c = lax.axis_index("c")
        s = lax.axis_index("s")
        base = (c * NS + s) * EPT

        @pl.when(c == 0)
        def _():
            pltpu.sync_copy(y_hbm.at[pl.ds(s * RPT, RPT)],
                            acc_sh.at[pl.ds(s * RPT, RPT)])

        @pl.when(c == 1)
        def _():
            pltpu.sync_copy(z_hbm, acc_sh.at[pl.ds(s * RPT, RPT)])

        plsc.subcore_barrier()

        def start_gather(chunk, j):
            off = base + chunk * K
            pltpu.sync_copy(src_hbm.at[pl.ds(off, K)], sidx[j])
            pltpu.sync_copy(dst_hbm.at[pl.ds(off, K)], didx[j])
            pltpu.async_copy(y_hbm.at[sidx[j]], bufs[j], sems[j])

        for j in range(NB):
            start_gather(j, j)

        @pl.loop(0, CH // NB)
        def _(p):
            for j in range(NB):
                chunk = NB * p + j
                pltpu.make_async_copy(y_hbm.at[sidx[j]], bufs[j],
                                      sems[j]).wait()
                pltpu.sync_copy(bufs[j], acc_sh.at[didx[j]], add=True)

                @pl.when(p < CH // NB - 1)
                def _():
                    start_gather(chunk + NB, j)

        plsc.subcore_barrier()

        @pl.when(c == 0)
        def _():
            pltpu.sync_copy(acc_sh.at[pl.ds(s * RPT, RPT)],
                            acca_hbm.at[pl.ds(s * RPT, RPT)])

        @pl.when(c == 1)
        def _():
            pltpu.sync_copy(acc_sh.at[pl.ds(s * RPT, RPT)],
                            accb_hbm.at[pl.ds(s * RPT, RPT)])

    return gs_kernel(y, src, dst, zeros128)



def kernel(x, edge_index, W1, b1, W2, b2):
    ei = edge_index.astype(jnp.int32)
    ppt = EPT - E // NW
    pad_src = jnp.zeros((NW, ppt), jnp.int32)
    pad_dst = jnp.broadcast_to(
        jnp.tile(jnp.arange(16, dtype=jnp.int32) + SINK, ppt // 16), (NW, ppt))
    src = jnp.concatenate([ei[0].reshape(NW, E // NW), pad_src],
                          axis=1).reshape(-1)
    dst = jnp.concatenate([ei[1].reshape(NW, E // NW), pad_dst],
                          axis=1).reshape(-1)
    zeros16 = jnp.zeros((RPT, 16), jnp.float32)
    ones16 = jnp.ones((K, 16), jnp.float32)
    zeros128 = jnp.zeros((RPT, D), jnp.float32)

    xw1 = _tc_matmul(x, W1)
    deg_a, deg_b = _sc_degree(dst, zeros16, ones16)
    y1 = _tc_scale(xw1, deg_a, deg_b)
    acc_a1, acc_b1 = _sc_gather_scatter(y1, src, dst, zeros128)
    y2 = _tc_mid(acc_a1, acc_b1, deg_a, deg_b, b1, W2)
    acc_a2, acc_b2 = _sc_gather_scatter(y2, src, dst, zeros128)
    return _tc_final(acc_a2, acc_b2, deg_a, deg_b, b2)

# --- scband reference (transcript-rebuilt; emitter-appended) ---
"""Pipeline reference for scband-gcn-79388175499708 (READ-ONLY COPY).

The authoritative reference and input builder live on the scoring server;
editing this copy changes nothing except your own understanding.
"""

import jax, jax.numpy as jnp
import numpy as np

N_NODES = 10000
N_EDGES = 320000
D_IN = 128
D_HID = 128
D_OUT = 128


def gcn_conv(x, edge_index, W, b, num_nodes):
    # x' = D^{-1/2} (A + I) D^{-1/2} (x W) + b   (PyG GCNConv defaults)
    xw = x @ W
    src = edge_index[0]
    dst = edge_index[1]
    loop = jnp.arange(num_nodes, dtype=edge_index.dtype)
    src = jnp.concatenate([src, loop])
    dst = jnp.concatenate([dst, loop])
    ones = jnp.ones(dst.shape[0], dtype=xw.dtype)
    deg = jax.ops.segment_sum(ones, dst, num_segments=num_nodes)
    deg_inv_sqrt = jnp.where(deg > 0, jax.lax.rsqrt(deg), 0.0)
    norm = deg_inv_sqrt[src] * deg_inv_sqrt[dst]
    msg = xw[src] * norm[:, None]
    out = jax.ops.segment_sum(msg, dst, num_segments=num_nodes)
    return out + b


def setup_inputs(seed: int = 0) -> dict:
    key = jax.random.key(seed)
    k_x, k_e, k_w1, k_w2 = jax.random.split(key, 4)
    x = jax.random.normal(k_x, (N_NODES, D_IN), dtype=jnp.float32)
    edge_index = jax.random.randint(k_e, (2, N_EDGES), 0, N_NODES, dtype=jnp.int64)
    s1 = 1.0 / np.sqrt(D_IN)
    s2 = 1.0 / np.sqrt(D_HID)
    W1 = jax.random.uniform(k_w1, (D_IN, D_HID), dtype=jnp.float32, minval=-s1, maxval=s1)
    b1 = jnp.zeros((D_HID,), dtype=jnp.float32)
    W2 = jax.random.uniform(k_w2, (D_HID, D_OUT), dtype=jnp.float32, minval=-s2, maxval=s2)
    b2 = jnp.zeros((D_OUT,), dtype=jnp.float32)
    return {"x": x, "edge_index": edge_index, "W1": W1, "b1": b1, "W2": W2, "b2": b2}


def reference(x, edge_index, W1, b1, W2, b2):
    # eval mode: dropout is identity
    h = gcn_conv(x, edge_index, W1, b1, N_NODES)
    h = jax.nn.relu(h)
    out = gcn_conv(h, edge_index, W2, b2, N_NODES)
    return out

if __name__ == "__main__":
    import jax
    _d = setup_inputs()
    print(jax.jit(kernel)(*tuple(_d.values())))

</pallas_src>

<mosaic_0001>
#map = affine_map<(d0, d1) -> (0, 0)>
#map1 = affine_map<(d0, d1) -> (0)>
module attributes {stable_mosaic.version = 14 : i64} {
  func.func @gs_kernel(%arg0: i32, %arg1: i32, %arg2: memref<10000x128xf32, #tpu.memory_space<hbm>>, %arg3: memref<331776xi32, #tpu.memory_space<hbm>>, %arg4: memref<331776xi32, #tpu.memory_space<hbm>>, %arg5: memref<625x128xf32, #tpu.memory_space<hbm>>, %arg6: memref<10000x128xf32, #tpu.memory_space<hbm>>, %arg7: memref<10000x128xf32, #tpu.memory_space<hbm>>, %arg8: memref<10016x128xf32, #tpu.memory_space<vmem_shared>>, %arg9: memref<192xi32, #tpu.memory_space<vmem>>, %arg10: memref<192xi32, #tpu.memory_space<vmem>>, %arg11: memref<192xi32, #tpu.memory_space<vmem>>, %arg12: memref<192xi32, #tpu.memory_space<vmem>>, %arg13: memref<192x128xf32, #tpu.memory_space<vmem>>, %arg14: memref<192x128xf32, #tpu.memory_space<vmem>>, %arg15: memref<!tpu.dma_semaphore, #tpu.memory_space<semaphore_mem>>, %arg16: memref<!tpu.dma_semaphore, #tpu.memory_space<semaphore_mem>>) attributes {dimension_semantics = [#tpu.dimension_semantics<core_parallel>, #tpu.dimension_semantics<subcore_parallel>], iteration_bounds = array<i64: 2, 16>, scalar_prefetch = 0 : i64, scratch_operands = 9 : i64, tpu.core_type = #tpu.core_type<sc_vector_subcore>, window_params = [{transform_indices = #map}, {transform_indices = #map1}, {transform_indices = #map1}, {transform_indices = #map}, {transform_indices = #map}, {transform_indices = #map}]} {
    %mul3A = arith.constant 16 : i32
    %mul3A_0 = arith.muli %arg0, %mul3A : i32
    %add3A = arith.addi %mul3A_0, %arg1 : i32
    %mul3A_1 = arith.constant 10368 : i32
    %mul3A_2 = arith.muli %add3A, %mul3A_1 : i32
    %eq3A = arith.constant 0 : i32
    %eq3A_3 = arith.cmpi eq, %arg0, %eq3A : i32
    %convert_element_type3A = arith.extui %eq3A_3 : i1 to i32
    %cond3A = arith.constant 0 : i32
    %cond3A_4 = arith.cmpi ne, %convert_element_type3A, %cond3A : i32
    scf.if %cond3A_4 {
      %mul3A_34 = arith.constant 625 : i32
      %mul3A_35 = arith.muli %arg1, %mul3A_34 : i32
      %mul3A_36 = arith.constant 625 : i32
      %mul3A_37 = arith.muli %arg1, %mul3A_36 : i32
      "tpu.region"() ({
        %run_scoped3A = tpu.sem_alloc : memref<!tpu.dma_semaphore, #tpu.memory_space<semaphore_mem>>
        %dma_start3A_38 = arith.constant 0 : i32
        %dma_start3A_39 = tpu.memref_slice %arg8[%mul3A_37, %dma_start3A_38] : memref<10016x128xf32, #tpu.memory_space<vmem_shared>> -> memref<625x128xf32, #tpu.memory_space<vmem_shared>>
        %dma_start3A_40 = arith.constant 0 : i32
        %dma_start3A_41 = tpu.memref_slice %arg2[%mul3A_35, %dma_start3A_40] : memref<10000x128xf32, #tpu.memory_space<hbm>> -> memref<625x128xf32, #tpu.memory_space<hbm>>
        tpu.enqueue_dma source(%dma_start3A_41 : memref<625x128xf32, #tpu.memory_space<hbm>>) target(%dma_start3A_39 : memref<625x128xf32, #tpu.memory_space<vmem_shared>>) target_semaphore(%run_scoped3A : memref<!tpu.dma_semaphore, #tpu.memory_space<semaphore_mem>>)
        %dma_wait3A = arith.constant 0 : i32
        %dma_wait3A_42 = tpu.memref_slice %arg8[%mul3A_37, %dma_wait3A] : memref<10016x128xf32, #tpu.memory_space<vmem_shared>> -> memref<625x128xf32, #tpu.memory_space<vmem_shared>>
        %dma_wait3A_43 = arith.constant 0 : i32
        %dma_wait3A_44 = tpu.memref_slice %arg2[%mul3A_35, %dma_wait3A_43] : memref<10000x128xf32, #tpu.memory_space<hbm>> -> memref<625x128xf32, #tpu.memory_space<hbm>>
        tpu.wait_dma2 semaphore(%run_scoped3A : memref<!tpu.dma_semaphore, #tpu.memory_space<semaphore_mem>>) src(%dma_wait3A_44 : memref<625x128xf32, #tpu.memory_space<hbm>>) dst(%dma_wait3A_42 : memref<625x128xf32, #tpu.memory_space<vmem_shared>>)
        tpu.yield
      }) : () -> ()
    } else {
    }
    %eq3A_5 = arith.constant 1 : i32
    %eq3A_6 = arith.cmpi eq, %arg0, %eq3A_5 : i32
    %convert_element_type3A_7 = arith.extui %eq3A_6 : i1 to i32
    %cond3A_8 = arith.constant 0 : i32
    %cond3A_9 = arith.cmpi ne, %convert_element_type3A_7, %cond3A_8 : i32
    scf.if %cond3A_9 {
      %mul3A_34 = arith.constant 625 : i32
      %mul3A_35 = arith.muli %arg1, %mul3A_34 : i32
      "tpu.region"() ({
        %run_scoped3A = tpu.sem_alloc : memref<!tpu.dma_semaphore, #tpu.memory_space<semaphore_mem>>
        %dma_start3A_36 = arith.constant 0 : i32
        %dma_start3A_37 = tpu.memref_slice %arg8[%mul3A_35, %dma_start3A_36] : memref<10016x128xf32, #tpu.memory_space<vmem_shared>> -> memref<625x128xf32, #tpu.memory_space<vmem_shared>>
        tpu.enqueue_dma source(%arg5 : memref<625x128xf32, #tpu.memory_space<hbm>>) target(%dma_start3A_37 : memref<625x128xf32, #tpu.memory_space<vmem_shared>>) target_semaphore(%run_scoped3A : memref<!tpu.dma_semaphore, #tpu.memory_space<semaphore_mem>>)
        %dma_wait3A = arith.constant 0 : i32
        %dma_wait3A_38 = tpu.memref_slice %arg8[%mul3A_35, %dma_wait3A] : memref<10016x128xf32, #tpu.memory_space<vmem_shared>> -> memref<625x128xf32, #tpu.memory_space<vmem_shared>>
        tpu.wait_dma2 semaphore(%run_scoped3A : memref<!tpu.dma_semaphore, #tpu.memory_space<semaphore_mem>>) src(%arg5 : memref<625x128xf32, #tpu.memory_space<hbm>>) dst(%dma_wait3A_38 : memref<625x128xf32, #tpu.memory_space<vmem_shared>>)
        tpu.yield
      }) : () -> ()
    } else {
    }
    %barrier3A = arith.constant 0 : index
    tpu.barrier barrier_id(%barrier3A)
    %add3A_10 = arith.constant 0 : i32
    %add3A_11 = arith.addi %mul3A_2, %add3A_10 : i32
    "tpu.region"() ({
      %run_scoped3A = tpu.sem_alloc : memref<!tpu.dma_semaphore, #tpu.memory_space<semaphore_mem>>
      %dma_start3A_34 = tpu.memref_slice %arg3[%add3A_11] : memref<331776xi32, #tpu.memory_space<hbm>> -> memref<192xi32, #tpu.memory_space<hbm>>
      %dma_start3A_35 = tpu.memref_slice %arg3[%add3A_11] : memref<331776xi32, #tpu.memory_space<hbm>> -> memref<192xi32, #tpu.memory_space<hbm>>
      tpu.enqueue_dma source(%dma_start3A_35 : memref<192xi32, #tpu.memory_space<hbm>>) target(%arg9 : memref<192xi32, #tpu.memory_space<vmem>>) target_semaphore(%run_scoped3A : memref<!tpu.dma_semaphore, #tpu.memory_space<semaphore_mem>>)
      %dma_wait3A = tpu.memref_slice %arg3[%add3A_11] : memref<331776xi32, #tpu.memory_space<hbm>> -> memref<192xi32, #tpu.memory_space<hbm>>
      %dma_wait3A_36 = tpu.memref_slice %arg3[%add3A_11] : memref<331776xi32, #tpu.memory_space<hbm>> -> memref<192xi32, #tpu.memory_space<hbm>>
      tpu.wait_dma2 semaphore(%run_scoped3A : memref<!tpu.dma_semaphore, #tpu.memory_space<semaphore_mem>>) src(%dma_wait3A_36 : memref<192xi32, #tpu.memory_space<hbm>>) dst(%arg9 : memref<192xi32, #tpu.memory_space<vmem>>)
      tpu.yield
    }) : () -> ()
    "tpu.region"() ({
      %run_scoped3A = tpu.sem_alloc : memref<!tpu.dma_semaphore, #tpu.memory_space<semaphore_mem>>
      %dma_start3A_34 = tpu.memref_slice %arg4[%add3A_11] : memref<331776xi32, #tpu.memory_space<hbm>> -> memref<192xi32, #tpu.memory_space<hbm>>
      %dma_start3A_35 = tpu.memref_slice %arg4[%add3A_11] : memref<331776xi32, #tpu.memory_space<hbm>> -> memref<192xi32, #tpu.memory_space<hbm>>
      tpu.enqueue_dma source(%dma_start3A_35 : memref<192xi32, #tpu.memory_space<hbm>>) target(%arg10 : memref<192xi32, #tpu.memory_space<vmem>>) target_semaphore(%run_scoped3A : memref<!tpu.dma_semaphore, #tpu.memory_space<semaphore_mem>>)
      %dma_wait3A = tpu.memref_slice %arg4[%add3A_11] : memref<331776xi32, #tpu.memory_space<hbm>> -> memref<192xi32, #tpu.memory_space<hbm>>
      %dma_wait3A_36 = tpu.memref_slice %arg4[%add3A_11] : memref<331776xi32, #tpu.memory_space<hbm>> -> memref<192xi32, #tpu.memory_space<hbm>>
      tpu.wait_dma2 semaphore(%run_scoped3A : memref<!tpu.dma_semaphore, #tpu.memory_space<semaphore_mem>>) src(%dma_wait3A_36 : memref<192xi32, #tpu.memory_space<hbm>>) dst(%arg10 : memref<192xi32, #tpu.memory_space<vmem>>)
      tpu.yield
    }) : () -> ()
    %dma_start3A = arith.constant 0 : i32
    %dma_start3A_12 = arith.constant 0 : i32
    %dma_start3A_13 = tpu.memref_slice %arg2[%dma_start3A, %dma_start3A_12] : memref<10000x128xf32, #tpu.memory_space<hbm>> -> memref<10000x128xf32, #tpu.memory_space<hbm>>
    tpu.enqueue_indirect_dma source(%dma_start3A_13 : memref<10000x128xf32, #tpu.memory_space<hbm>>) target(%arg13 : memref<192x128xf32, #tpu.memory_space<vmem>>) offsets(%arg9 : memref<192xi32, #tpu.memory_space<vmem>>) semaphore(%arg15 : memref<!tpu.dma_semaphore, #tpu.memory_space<semaphore_mem>>)
    %add3A_14 = arith.constant 192 : i32
    %add3A_15 = arith.addi %mul3A_2, %add3A_14 : i32
    "tpu.region"() ({
      %run_scoped3A = tpu.sem_alloc : memref<!tpu.dma_semaphore, #tpu.memory_space<semaphore_mem>>
      %dma_start3A_34 = tpu.memref_slice %arg3[%add3A_15] : memref<331776xi32, #tpu.memory_space<hbm>> -> memref<192xi32, #tpu.memory_space<hbm>>
      %dma_start3A_35 = tpu.memref_slice %arg3[%add3A_15] : memref<331776xi32, #tpu.memory_space<hbm>> -> memref<192xi32, #tpu.memory_space<hbm>>
      tpu.enqueue_dma source(%dma_start3A_35 : memref<192xi32, #tpu.memory_space<hbm>>) target(%arg11 : memref<192xi32, #tpu.memory_space<vmem>>) target_semaphore(%run_scoped3A : memref<!tpu.dma_semaphore, #tpu.memory_space<semaphore_mem>>)
      %dma_wait3A = tpu.memref_slice %arg3[%add3A_15] : memref<331776xi32, #tpu.memory_space<hbm>> -> memref<192xi32, #tpu.memory_space<hbm>>
      %dma_wait3A_36 = tpu.memref_slice %arg3[%add3A_15] : memref<331776xi32, #tpu.memory_space<hbm>> -> memref<192xi32, #tpu.memory_space<hbm>>
      tpu.wait_dma2 semaphore(%run_scoped3A : memref<!tpu.dma_semaphore, #tpu.memory_space<semaphore_mem>>) src(%dma_wait3A_36 : memref<192xi32, #tpu.memory_space<hbm>>) dst(%arg11 : memref<192xi32, #tpu.memory_space<vmem>>)
      tpu.yield
    }) : () -> ()
    "tpu.region"() ({
      %run_scoped3A = tpu.sem_alloc : memref<!tpu.dma_semaphore, #tpu.memory_space<semaphore_mem>>
      %dma_start3A_34 = tpu.memref_slice %arg4[%add3A_15] : memref<331776xi32, #tpu.memory_space<hbm>> -> memref<192xi32, #tpu.memory_space<hbm>>
      %dma_start3A_35 = tpu.memref_slice %arg4[%add3A_15] : memref<331776xi32, #tpu.memory_space<hbm>> -> memref<192xi32, #tpu.memory_space<hbm>>
      tpu.enqueue_dma source(%dma_start3A_35 : memref<192xi32, #tpu.memory_space<hbm>>) target(%arg12 : memref<192xi32, #tpu.memory_space<vmem>>) target_semaphore(%run_scoped3A : memref<!tpu.dma_semaphore, #tpu.memory_space<semaphore_mem>>)
      %dma_wait3A = tpu.memref_slice %arg4[%add3A_15] : memref<331776xi32, #tpu.memory_space<hbm>> -> memref<192xi32, #tpu.memory_space<hbm>>
      %dma_wait3A_36 = tpu.memref_slice %arg4[%add3A_15] : memref<331776xi32, #tpu.memory_space<hbm>> -> memref<192xi32, #tpu.memory_space<hbm>>
      tpu.wait_dma2 semaphore(%run_scoped3A : memref<!tpu.dma_semaphore, #tpu.memory_space<semaphore_mem>>) src(%dma_wait3A_36 : memref<192xi32, #tpu.memory_space<hbm>>) dst(%arg12 : memref<192xi32, #tpu.memory_space<vmem>>)
      tpu.yield
    }) : () -> ()
    %dma_start3A_16 = arith.constant 0 : i32
    %dma_start3A_17 = arith.constant 0 : i32
    %dma_start3A_18 = tpu.memref_slice %arg2[%dma_start3A_16, %dma_start3A_17] : memref<10000x128xf32, #tpu.memory_space<hbm>> -> memref<10000x128xf32, #tpu.memory_space<hbm>>
    tpu.enqueue_indirect_dma source(%dma_start3A_18 : memref<10000x128xf32, #tpu.memory_space<hbm>>) target(%arg14 : memref<192x128xf32, #tpu.memory_space<vmem>>) offsets(%arg11 : memref<192xi32, #tpu.memory_space<vmem>>) semaphore(%arg16 : memref<!tpu.dma_semaphore, #tpu.memory_space<semaphore_mem>>)
    %scan3A = arith.constant 0 : i32
    %scan3A_19 = arith.constant 27 : i32
    %scan3A_20 = arith.addi %scan3A, %scan3A_19 : i32
    %scan3A_21 = arith.constant 1 : i32
    scf.for %scan3A_34 = %scan3A to %scan3A_20 step %scan3A_21  : i32 {
      %mul3A_35 = arith.constant 1 : i32
      %mul3A_36 = arith.muli %scan3A_34, %mul3A_35 : i32
      %add3A_37 = arith.constant 0 : i32
      %add3A_38 = arith.addi %add3A_37, %mul3A_36 : i32
      %mul3A_39 = arith.constant 2 : i32
      %mul3A_40 = arith.muli %mul3A_39, %add3A_38 : i32
      %add3A_41 = arith.constant 0 : i32
      %add3A_42 = arith.addi %mul3A_40, %add3A_41 : i32
      %dma_wait3A = arith.constant 0 : i32
      %dma_wait3A_43 = arith.constant 0 : i32
      %dma_wait3A_44 = tpu.memref_slice %arg2[%dma_wait3A, %dma_wait3A_43] : memref<10000x128xf32, #tpu.memory_space<hbm>> -> memref<10000x128xf32, #tpu.memory_space<hbm>>
      tpu.wait_indirect_dma semaphore(%arg15 : memref<!tpu.dma_semaphore, #tpu.memory_space<semaphore_mem>>) src(%dma_wait3A_44 : memref<10000x128xf32, #tpu.memory_space<hbm>>) dst(%arg13 : memref<192x128xf32, #tpu.memory_space<vmem>>)
      "tpu.region"() ({
        %run_scoped3A = tpu.sem_alloc : memref<!tpu.dma_semaphore, #tpu.memory_space<semaphore_mem>>
        %dma_start3A_61 = arith.constant 0 : i32
        %dma_start3A_62 = arith.constant 0 : i32
        %dma_start3A_63 = tpu.memref_slice %arg8[%dma_start3A_61, %dma_start3A_62] : memref<10016x128xf32, #tpu.memory_space<vmem_shared>> -> memref<10016x128xf32, #tpu.memory_space<vmem_shared>>
        tpu.enqueue_indirect_dma source(%arg13 : memref<192x128xf32, #tpu.memory_space<vmem>>) target(%dma_start3A_63 : memref<10016x128xf32, #tpu.memory_space<vmem_shared>>) offsets(%arg10 : memref<192xi32, #tpu.memory_space<vmem>>) semaphore(%run_scoped3A : memref<!tpu.dma_semaphore, #tpu.memory_space<semaphore_mem>>) {add = true}
        %dma_wait3A_64 = arith.constant 0 : i32
        %dma_wait3A_65 = arith.constant 0 : i32
        %dma_wait3A_66 = tpu.memref_slice %arg8[%dma_wait3A_64, %dma_wait3A_65] : memref<10016x128xf32, #tpu.memory_space<vmem_shared>> -> memref<10016x128xf32, #tpu.memory_space<vmem_shared>>
        tpu.wait_indirect_dma semaphore(%run_scoped3A : memref<!tpu.dma_semaphore, #tpu.memory_space<semaphore_mem>>) src(%arg13 : memref<192x128xf32, #tpu.memory_space<vmem>>) dst(%dma_wait3A_66 : memref<10016x128xf32, #tpu.memory_space<vmem_shared>>)
        tpu.yield
      }) : () -> ()
      %lt3A = arith.constant 26 : i32
      %lt3A_45 = arith.cmpi slt, %add3A_38, %lt3A : i32
      %convert_element_type3A_46 = arith.extui %lt3A_45 : i1 to i32
      %cond3A_47 = arith.constant 0 : i32
      %cond3A_48 = arith.cmpi ne, %convert_element_type3A_46, %cond3A_47 : i32
      scf.if %cond3A_48 {
        %add3A_61 = arith.constant 2 : i32
        %add3A_62 = arith.addi %add3A_42, %add3A_61 : i32
        %mul3A_63 = arith.constant 192 : i32
        %mul3A_64 = arith.muli %add3A_62, %mul3A_63 : i32
        %add3A_65 = arith.addi %mul3A_2, %mul3A_64 : i32
        "tpu.region"() ({
          %run_scoped3A = tpu.sem_alloc : memref<!tpu.dma_semaphore, #tpu.memory_space<semaphore_mem>>
          %dma_start3A_69 = tpu.memref_slice %arg3[%add3A_65] : memref<331776xi32, #tpu.memory_space<hbm>> -> memref<192xi32, #tpu.memory_space<hbm>>
          %dma_start3A_70 = tpu.memref_slice %arg3[%add3A_65] : memref<331776xi32, #tpu.memory_space<hbm>> -> memref<192xi32, #tpu.memory_space<hbm>>
          tpu.enqueue_dma source(%dma_start3A_70 : memref<192xi32, #tpu.memory_space<hbm>>) target(%arg9 : memref<192xi32, #tpu.memory_space<vmem>>) target_semaphore(%run_scoped3A : memref<!tpu.dma_semaphore, #tpu.memory_space<semaphore_mem>>)
          %dma_wait3A_71 = tpu.memref_slice %arg3[%add3A_65] : memref<331776xi32, #tpu.memory_space<hbm>> -> memref<192xi32, #tpu.memory_space<hbm>>
          %dma_wait3A_72 = tpu.memref_slice %arg3[%add3A_65] : memref<331776xi32, #tpu.memory_space<hbm>> -> memref<192xi32, #tpu.memory_space<hbm>>
          tpu.wait_dma2 semaphore(%run_scoped3A : memref<!tpu.dma_semaphore, #tpu.memory_space<semaphore_mem>>) src(%dma_wait3A_72 : memref<192xi32, #tpu.memory_space<hbm>>) dst(%arg9 : memref<192xi32, #tpu.memory_space<vmem>>)
          tpu.yield
        }) : () -> ()
        "tpu.region"() ({
          %run_scoped3A = tpu.sem_alloc : memref<!tpu.dma_semaphore, #tpu.memory_space<semaphore_mem>>
          %dma_start3A_69 = tpu.memref_slice %arg4[%add3A_65] : memref<331776xi32, #tpu.memory_space<hbm>> -> memref<192xi32, #tpu.memory_space<hbm>>
          %dma_start3A_70 = tpu.memref_slice %arg4[%add3A_65] : memref<331776xi32, #tpu.memory_space<hbm>> -> memref<192xi32, #tpu.memory_space<hbm>>
          tpu.enqueue_dma source(%dma_start3A_70 : memref<192xi32, #tpu.memory_space<hbm>>) target(%arg10 : memref<192xi32, #tpu.memory_space<vmem>>) target_semaphore(%run_scoped3A : memref<!tpu.dma_semaphore, #tpu.memory_space<semaphore_mem>>)
          %dma_wait3A_71 = tpu.memref_slice %arg4[%add3A_65] : memref<331776xi32, #tpu.memory_space<hbm>> -> memref<192xi32, #tpu.memory_space<hbm>>
          %dma_wait3A_72 = tpu.memref_slice %arg4[%add3A_65] : memref<331776xi32, #tpu.memory_space<hbm>> -> memref<192xi32, #tpu.memory_space<hbm>>
          tpu.wait_dma2 semaphore(%run_scoped3A : memref<!tpu.dma_semaphore, #tpu.memory_space<semaphore_mem>>) src(%dma_wait3A_72 : memref<192xi32, #tpu.memory_space<hbm>>) dst(%arg10 : memref<192xi32, #tpu.memory_space<vmem>>)
          tpu.yield
        }) : () -> ()
        %dma_start3A_66 = arith.constant 0 : i32
        %dma_start3A_67 = arith.constant 0 : i32
        %dma_start3A_68 = tpu.memref_slice %arg2[%dma_start3A_66, %dma_start3A_67] : memref<10000x128xf32, #tpu.memory_space<hbm>> -> memref<10000x128xf32, #tpu.memory_space<hbm>>
        tpu.enqueue_indirect_dma source(%dma_start3A_68 : memref<10000x128xf32, #tpu.memory_space<hbm>>) target(%arg13 : memref<192x128xf32, #tpu.memory_space<vmem>>) offsets(%arg9 : memref<192xi32, #tpu.memory_space<vmem>>) semaphore(%arg15 : memref<!tpu.dma_semaphore, #tpu.memory_space<semaphore_mem>>)
      } else {
      }
      %mul3A_49 = arith.constant 2 : i32
      %mul3A_50 = arith.muli %mul3A_49, %add3A_38 : i32
      %add3A_51 = arith.constant 1 : i32
      %add3A_52 = arith.addi %mul3A_50, %add3A_51 : i32
      %dma_wait3A_53 = arith.constant 0 : i32
      %dma_wait3A_54 = arith.constant 0 : i32
      %dma_wait3A_55 = tpu.memref_slice %arg2[%dma_wait3A_53, %dma_wait3A_54] : memref<10000x128xf32, #tpu.memory_space<hbm>> -> memref<10000x128xf32, #tpu.memory_space<hbm>>
      tpu.wait_indirect_dma semaphore(%arg16 : memref<!tpu.dma_semaphore, #tpu.memory_space<semaphore_mem>>) src(%dma_wait3A_55 : memref<10000x128xf32, #tpu.memory_space<hbm>>) dst(%arg14 : memref<192x128xf32, #tpu.memory_space<vmem>>)
      "tpu.region"() ({
        %run_scoped3A = tpu.sem_alloc : memref<!tpu.dma_semaphore, #tpu.memory_space<semaphore_mem>>
        %dma_start3A_61 = arith.constant 0 : i32
        %dma_start3A_62 = arith.constant 0 : i32
        %dma_start3A_63 = tpu.memref_slice %arg8[%dma_start3A_61, %dma_start3A_62] : memref<10016x128xf32, #tpu.memory_space<vmem_shared>> -> memref<10016x128xf32, #tpu.memory_space<vmem_shared>>
        tpu.enqueue_indirect_dma source(%arg14 : memref<192x128xf32, #tpu.memory_space<vmem>>) target(%dma_start3A_63 : memref<10016x128xf32, #tpu.memory_space<vmem_shared>>) offsets(%arg12 : memref<192xi32, #tpu.memory_space<vmem>>) semaphore(%run_scoped3A : memref<!tpu.dma_semaphore, #tpu.memory_space<semaphore_mem>>) {add = true}
        %dma_wait3A_64 = arith.constant 0 : i32
        %dma_wait3A_65 = arith.constant 0 : i32
        %dma_wait3A_66 = tpu.memref_slice %arg8[%dma_wait3A_64, %dma_wait3A_65] : memref<10016x128xf32, #tpu.memory_space<vmem_shared>> -> memref<10016x128xf32, #tpu.memory_space<vmem_shared>>
        tpu.wait_indirect_dma semaphore(%run_scoped3A : memref<!tpu.dma_semaphore, #tpu.memory_space<semaphore_mem>>) src(%arg14 : memref<192x128xf32, #tpu.memory_space<vmem>>) dst(%dma_wait3A_66 : memref<10016x128xf32, #tpu.memory_space<vmem_shared>>)
        tpu.yield
      }) : () -> ()
      %lt3A_56 = arith.constant 26 : i32
      %lt3A_57 = arith.cmpi slt, %add3A_38, %lt3A_56 : i32
      %convert_element_type3A_58 = arith.extui %lt3A_57 : i1 to i32
      %cond3A_59 = arith.constant 0 : i32
      %cond3A_60 = arith.cmpi ne, %convert_element_type3A_58, %cond3A_59 : i32
      scf.if %cond3A_60 {
        %add3A_61 = arith.constant 2 : i32
        %add3A_62 = arith.addi %add3A_52, %add3A_61 : i32
        %mul3A_63 = arith.constant 192 : i32
        %mul3A_64 = arith.muli %add3A_62, %mul3A_63 : i32
        %add3A_65 = arith.addi %mul3A_2, %mul3A_64 : i32
        "tpu.region"() ({
          %run_scoped3A = tpu.sem_alloc : memref<!tpu.dma_semaphore, #tpu.memory_space<semaphore_mem>>
          %dma_start3A_69 = tpu.memref_slice %arg3[%add3A_65] : memref<331776xi32, #tpu.memory_space<hbm>> -> memref<192xi32, #tpu.memory_space<hbm>>
          %dma_start3A_70 = tpu.memref_slice %arg3[%add3A_65] : memref<331776xi32, #tpu.memory_space<hbm>> -> memref<192xi32, #tpu.memory_space<hbm>>
          tpu.enqueue_dma source(%dma_start3A_70 : memref<192xi32, #tpu.memory_space<hbm>>) target(%arg11 : memref<192xi32, #tpu.memory_space<vmem>>) target_semaphore(%run_scoped3A : memref<!tpu.dma_semaphore, #tpu.memory_space<semaphore_mem>>)
          %dma_wait3A_71 = tpu.memref_slice %arg3[%add3A_65] : memref<331776xi32, #tpu.memory_space<hbm>> -> memref<192xi32, #tpu.memory_space<hbm>>
          %dma_wait3A_72 = tpu.memref_slice %arg3[%add3A_65] : memref<331776xi32, #tpu.memory_space<hbm>> -> memref<192xi32, #tpu.memory_space<hbm>>
          tpu.wait_dma2 semaphore(%run_scoped3A : memref<!tpu.dma_semaphore, #tpu.memory_space<semaphore_mem>>) src(%dma_wait3A_72 : memref<192xi32, #tpu.memory_space<hbm>>) dst(%arg11 : memref<192xi32, #tpu.memory_space<vmem>>)
          tpu.yield
        }) : () -> ()
        "tpu.region"() ({
          %run_scoped3A = tpu.sem_alloc : memref<!tpu.dma_semaphore, #tpu.memory_space<semaphore_mem>>
          %dma_start3A_69 = tpu.memref_slice %arg4[%add3A_65] : memref<331776xi32, #tpu.memory_space<hbm>> -> memref<192xi32, #tpu.memory_space<hbm>>
          %dma_start3A_70 = tpu.memref_slice %arg4[%add3A_65] : memref<331776xi32, #tpu.memory_space<hbm>> -> memref<192xi32, #tpu.memory_space<hbm>>
          tpu.enqueue_dma source(%dma_start3A_70 : memref<192xi32, #tpu.memory_space<hbm>>) target(%arg12 : memref<192xi32, #tpu.memory_space<vmem>>) target_semaphore(%run_scoped3A : memref<!tpu.dma_semaphore, #tpu.memory_space<semaphore_mem>>)
          %dma_wait3A_71 = tpu.memref_slice %arg4[%add3A_65] : memref<331776xi32, #tpu.memory_space<hbm>> -> memref<192xi32, #tpu.memory_space<hbm>>
          %dma_wait3A_72 = tpu.memref_slice %arg4[%add3A_65] : memref<331776xi32, #tpu.memory_space<hbm>> -> memref<192xi32, #tpu.memory_space<hbm>>
          tpu.wait_dma2 semaphore(%run_scoped3A : memref<!tpu.dma_semaphore, #tpu.memory_space<semaphore_mem>>) src(%dma_wait3A_72 : memref<192xi32, #tpu.memory_space<hbm>>) dst(%arg12 : memref<192xi32, #tpu.memory_space<vmem>>)
          tpu.yield
        }) : () -> ()
        %dma_start3A_66 = arith.constant 0 : i32
        %dma_start3A_67 = arith.constant 0 : i32
        %dma_start3A_68 = tpu.memref_slice %arg2[%dma_start3A_66, %dma_start3A_67] : memref<10000x128xf32, #tpu.memory_space<hbm>> -> memref<10000x128xf32, #tpu.memory_space<hbm>>
        tpu.enqueue_indirect_dma source(%dma_start3A_68 : memref<10000x128xf32, #tpu.memory_space<hbm>>) target(%arg14 : memref<192x128xf32, #tpu.memory_space<vmem>>) offsets(%arg11 : memref<192xi32, #tpu.memory_space<vmem>>) semaphore(%arg16 : memref<!tpu.dma_semaphore, #tpu.memory_space<semaphore_mem>>)
      } else {
      }
    }
    %scan3A_22 = arith.constant 27 : i32
    %barrier3A_23 = arith.constant 0 : index
    tpu.barrier barrier_id(%barrier3A_23)
    %eq3A_24 = arith.constant 0 : i32
    %eq3A_25 = arith.cmpi eq, %arg0, %eq3A_24 : i32
    %convert_element_type3A_26 = arith.extui %eq3A_25 : i1 to i32
    %cond3A_27 = arith.constant 0 : i32
    %cond3A_28 = arith.cmpi ne, %convert_element_type3A_26, %cond3A_27 : i32
    scf.if %cond3A_28 {
      %mul3A_34 = arith.constant 625 : i32
      %mul3A_35 = arith.muli %arg1, %mul3A_34 : i32
      %mul3A_36 = arith.constant 625 : i32
      %mul3A_37 = arith.muli %arg1, %mul3A_36 : i32
      "tpu.region"() ({
        %run_scoped3A = tpu.sem_alloc : memref<!tpu.dma_semaphore, #tpu.memory_space<semaphore_mem>>
        %dma_start3A_38 = arith.constant 0 : i32
        %dma_start3A_39 = tpu.memref_slice %arg6[%mul3A_37, %dma_start3A_38] : memref<10000x128xf32, #tpu.memory_space<hbm>> -> memref<625x128xf32, #tpu.memory_space<hbm>>
        %dma_start3A_40 = arith.constant 0 : i32
        %dma_start3A_41 = tpu.memref_slice %arg8[%mul3A_35, %dma_start3A_40] : memref<10016x128xf32, #tpu.memory_space<vmem_shared>> -> memref<625x128xf32, #tpu.memory_space<vmem_shared>>
        tpu.enqueue_dma source(%dma_start3A_41 : memref<625x128xf32, #tpu.memory_space<vmem_shared>>) target(%dma_start3A_39 : memref<625x128xf32, #tpu.memory_space<hbm>>) target_semaphore(%run_scoped3A : memref<!tpu.dma_semaphore, #tpu.memory_space<semaphore_mem>>)
        %dma_wait3A = arith.constant 0 : i32
        %dma_wait3A_42 = tpu.memref_slice %arg6[%mul3A_37, %dma_wait3A] : memref<10000x128xf32, #tpu.memory_space<hbm>> -> memref<625x128xf32, #tpu.memory_space<hbm>>
        %dma_wait3A_43 = arith.constant 0 : i32
        %dma_wait3A_44 = tpu.memref_slice %arg8[%mul3A_35, %dma_wait3A_43] : memref<10016x128xf32, #tpu.memory_space<vmem_shared>> -> memref<625x128xf32, #tpu.memory_space<vmem_shared>>
        tpu.wait_dma2 semaphore(%run_scoped3A : memref<!tpu.dma_semaphore, #tpu.memory_space<semaphore_mem>>) src(%dma_wait3A_44 : memref<625x128xf32, #tpu.memory_space<vmem_shared>>) dst(%dma_wait3A_42 : memref<625x128xf32, #tpu.memory_space<hbm>>)
        tpu.yield
      }) : () -> ()
    } else {
    }
    %eq3A_29 = arith.constant 1 : i32
    %eq3A_30 = arith.cmpi eq, %arg0, %eq3A_29 : i32
    %convert_element_type3A_31 = arith.extui %eq3A_30 : i1 to i32
    %cond3A_32 = arith.constant 0 : i32
    %cond3A_33 = arith.cmpi ne, %convert_element_type3A_31, %cond3A_32 : i32
    scf.if %cond3A_33 {
      %mul3A_34 = arith.constant 625 : i32
      %mul3A_35 = arith.muli %arg1, %mul3A_34 : i32
      %mul3A_36 = arith.constant 625 : i32
      %mul3A_37 = arith.muli %arg1, %mul3A_36 : i32
      "tpu.region"() ({
        %run_scoped3A = tpu.sem_alloc : memref<!tpu.dma_semaphore, #tpu.memory_space<semaphore_mem>>
        %dma_start3A_38 = arith.constant 0 : i32
        %dma_start3A_39 = tpu.memref_slice %arg7[%mul3A_37, %dma_start3A_38] : memref<10000x128xf32, #tpu.memory_space<hbm>> -> memref<625x128xf32, #tpu.memory_space<hbm>>
        %dma_start3A_40 = arith.constant 0 : i32
        %dma_start3A_41 = tpu.memref_slice %arg8[%mul3A_35, %dma_start3A_40] : memref<10016x128xf32, #tpu.memory_space<vmem_shared>> -> memref<625x128xf32, #tpu.memory_space<vmem_shared>>
        tpu.enqueue_dma source(%dma_start3A_41 : memref<625x128xf32, #tpu.memory_space<vmem_shared>>) target(%dma_start3A_39 : memref<625x128xf32, #tpu.memory_space<hbm>>) target_semaphore(%run_scoped3A : memref<!tpu.dma_semaphore, #tpu.memory_space<semaphore_mem>>)
        %dma_wait3A = arith.constant 0 : i32
        %dma_wait3A_42 = tpu.memref_slice %arg7[%mul3A_37, %dma_wait3A] : memref<10000x128xf32, #tpu.memory_space<hbm>> -> memref<625x128xf32, #tpu.memory_space<hbm>>
        %dma_wait3A_43 = arith.constant 0 : i32
        %dma_wait3A_44 = tpu.memref_slice %arg8[%mul3A_35, %dma_wait3A_43] : memref<10016x128xf32, #tpu.memory_space<vmem_shared>> -> memref<625x128xf32, #tpu.memory_space<vmem_shared>>
        tpu.wait_dma2 semaphore(%run_scoped3A : memref<!tpu.dma_semaphore, #tpu.memory_space<semaphore_mem>>) src(%dma_wait3A_44 : memref<625x128xf32, #tpu.memory_space<vmem_shared>>) dst(%dma_wait3A_42 : memref<625x128xf32, #tpu.memory_space<hbm>>)
        tpu.yield
      }) : () -> ()
    } else {
    }
    return
  }
}

#map = affine_map<(d0, d1) -> (0)>
#map1 = affine_map<(d0, d1) -> (0, 0)>
module attributes {stable_mosaic.version = 14 : i64} {
  func.func @deg_kernel(%arg0: i32, %arg1: i32, %arg2: memref<331776xi32, #tpu.memory_space<hbm>>, %arg3: memref<625x16xf32, #tpu.memory_space<hbm>>, %arg4: memref<192x16xf32, #tpu.memory_space<hbm>>, %arg5: memref<10000x16xf32, #tpu.memory_space<hbm>>, %arg6: memref<10000x16xf32, #tpu.memory_space<hbm>>, %arg7: memref<10016x16xf32, #tpu.memory_space<vmem_shared>>, %arg8: memref<192xi32, #tpu.memory_space<vmem>>, %arg9: memref<192x16xf32, #tpu.memory_space<vmem>>, %arg10: memref<!tpu.dma_semaphore, #tpu.memory_space<semaphore_mem>>) attributes {dimension_semantics = [#tpu.dimension_semantics<core_parallel>, #tpu.dimension_semantics<subcore_parallel>], iteration_bounds = array<i64: 2, 16>, scalar_prefetch = 0 : i64, scratch_operands = 4 : i64, tpu.core_type = #tpu.core_type<sc_vector_subcore>, window_params = [{transform_indices = #map}, {transform_indices = #map1}, {transform_indices = #map1}, {transform_indices = #map1}, {transform_indices = #map1}]} {
    %mul3A = arith.constant 625 : i32
    %mul3A_0 = arith.muli %arg1, %mul3A : i32
    "tpu.region"() ({
      %run_scoped3A = tpu.sem_alloc : memref<!tpu.dma_semaphore, #tpu.memory_space<semaphore_mem>>
      %dma_start3A = arith.constant 0 : i32
      %dma_start3A_17 = tpu.memref_slice %arg7[%mul3A_0, %dma_start3A] : memref<10016x16xf32, #tpu.memory_space<vmem_shared>> -> memref<625x16xf32, #tpu.memory_space<vmem_shared>>
      tpu.enqueue_dma source(%arg3 : memref<625x16xf32, #tpu.memory_space<hbm>>) target(%dma_start3A_17 : memref<625x16xf32, #tpu.memory_space<vmem_shared>>) target_semaphore(%run_scoped3A : memref<!tpu.dma_semaphore, #tpu.memory_space<semaphore_mem>>)
      %dma_wait3A = arith.constant 0 : i32
      %dma_wait3A_18 = tpu.memref_slice %arg7[%mul3A_0, %dma_wait3A] : memref<10016x16xf32, #tpu.memory_space<vmem_shared>> -> memref<625x16xf32, #tpu.memory_space<vmem_shared>>
      tpu.wait_dma2 semaphore(%run_scoped3A : memref<!tpu.dma_semaphore, #tpu.memory_space<semaphore_mem>>) src(%arg3 : memref<625x16xf32, #tpu.memory_space<hbm>>) dst(%dma_wait3A_18 : memref<625x16xf32, #tpu.memory_space<vmem_shared>>)
      tpu.yield
    }) : () -> ()
    "tpu.region"() ({
      %run_scoped3A = tpu.sem_alloc : memref<!tpu.dma_semaphore, #tpu.memory_space<semaphore_mem>>
      tpu.enqueue_dma source(%arg4 : memref<192x16xf32, #tpu.memory_space<hbm>>) target(%arg9 : memref<192x16xf32, #tpu.memory_space<vmem>>) target_semaphore(%run_scoped3A : memref<!tpu.dma_semaphore, #tpu.memory_space<semaphore_mem>>)
      tpu.wait_dma2 semaphore(%run_scoped3A : memref<!tpu.dma_semaphore, #tpu.memory_space<semaphore_mem>>) src(%arg4 : memref<192x16xf32, #tpu.memory_space<hbm>>) dst(%arg9 : memref<192x16xf32, #tpu.memory_space<vmem>>)
      tpu.yield
    }) : () -> ()
    %barrier3A = arith.constant 0 : index
    tpu.barrier barrier_id(%barrier3A)
    %mul3A_1 = arith.constant 16 : i32
    %mul3A_2 = arith.muli %arg0, %mul3A_1 : i32
    %add3A = arith.addi %mul3A_2, %arg1 : i32
    %mul3A_3 = arith.constant 10368 : i32
    %mul3A_4 = arith.muli %add3A, %mul3A_3 : i32
    %scan3A = arith.constant 0 : i32
    %scan3A_5 = arith.constant 54 : i32
    %scan3A_6 = arith.addi %scan3A, %scan3A_5 : i32
    %scan3A_7 = arith.constant 1 : i32
    scf.for %scan3A_17 = %scan3A to %scan3A_6 step %scan3A_7  : i32 {
      %mul3A_18 = arith.constant 1 : i32
      %mul3A_19 = arith.muli %scan3A_17, %mul3A_18 : i32
      %add3A_20 = arith.constant 0 : i32
      %add3A_21 = arith.addi %add3A_20, %mul3A_19 : i32
      %mul3A_22 = arith.constant 192 : i32
      %mul3A_23 = arith.muli %add3A_21, %mul3A_22 : i32
      %add3A_24 = arith.addi %mul3A_4, %mul3A_23 : i32
      "tpu.region"() ({
        %run_scoped3A = tpu.sem_alloc : memref<!tpu.dma_semaphore, #tpu.memory_space<semaphore_mem>>
        %dma_start3A = tpu.memref_slice %arg2[%add3A_24] : memref<331776xi32, #tpu.memory_space<hbm>> -> memref<192xi32, #tpu.memory_space<hbm>>
        %dma_start3A_25 = tpu.memref_slice %arg2[%add3A_24] : memref<331776xi32, #tpu.memory_space<hbm>> -> memref<192xi32, #tpu.memory_space<hbm>>
        tpu.enqueue_dma source(%dma_start3A_25 : memref<192xi32, #tpu.memory_space<hbm>>) target(%arg8 : memref<192xi32, #tpu.memory_space<vmem>>) target_semaphore(%run_scoped3A : memref<!tpu.dma_semaphore, #tpu.memory_space<semaphore_mem>>)
        %dma_wait3A = tpu.memref_slice %arg2[%add3A_24] : memref<331776xi32, #tpu.memory_space<hbm>> -> memref<192xi32, #tpu.memory_space<hbm>>
        %dma_wait3A_26 = tpu.memref_slice %arg2[%add3A_24] : memref<331776xi32, #tpu.memory_space<hbm>> -> memref<192xi32, #tpu.memory_space<hbm>>
        tpu.wait_dma2 semaphore(%run_scoped3A : memref<!tpu.dma_semaphore, #tpu.memory_space<semaphore_mem>>) src(%dma_wait3A_26 : memref<192xi32, #tpu.memory_space<hbm>>) dst(%arg8 : memref<192xi32, #tpu.memory_space<vmem>>)
        tpu.yield
      }) : () -> ()
      "tpu.region"() ({
        %run_scoped3A = tpu.sem_alloc : memref<!tpu.dma_semaphore, #tpu.memory_space<semaphore_mem>>
        %dma_start3A = arith.constant 0 : i32
        %dma_start3A_25 = arith.constant 0 : i32
        %dma_start3A_26 = tpu.memref_slice %arg7[%dma_start3A, %dma_start3A_25] : memref<10016x16xf32, #tpu.memory_space<vmem_shared>> -> memref<10016x16xf32, #tpu.memory_space<vmem_shared>>
        tpu.enqueue_indirect_dma source(%arg9 : memref<192x16xf32, #tpu.memory_space<vmem>>) target(%dma_start3A_26 : memref<10016x16xf32, #tpu.memory_space<vmem_shared>>) offsets(%arg8 : memref<192xi32, #tpu.memory_space<vmem>>) semaphore(%run_scoped3A : memref<!tpu.dma_semaphore, #tpu.memory_space<semaphore_mem>>) {add = true}
        %dma_wait3A = arith.constant 0 : i32
        %dma_wait3A_27 = arith.constant 0 : i32
        %dma_wait3A_28 = tpu.memref_slice %arg7[%dma_wait3A, %dma_wait3A_27] : memref<10016x16xf32, #tpu.memory_space<vmem_shared>> -> memref<10016x16xf32, #tpu.memory_space<vmem_shared>>
        tpu.wait_indirect_dma semaphore(%run_scoped3A : memref<!tpu.dma_semaphore, #tpu.memory_space<semaphore_mem>>) src(%arg9 : memref<192x16xf32, #tpu.memory_space<vmem>>) dst(%dma_wait3A_28 : memref<10016x16xf32, #tpu.memory_space<vmem_shared>>)
        tpu.yield
      }) : () -> ()
    }
    %scan3A_8 = arith.constant 54 : i32
    %barrier3A_9 = arith.constant 0 : index
    tpu.barrier barrier_id(%barrier3A_9)
    %eq3A = arith.constant 0 : i32
    %eq3A_10 = arith.cmpi eq, %arg0, %eq3A : i32
    %convert_element_type3A = arith.extui %eq3A_10 : i1 to i32
    %cond3A = arith.constant 0 : i32
    %cond3A_11 = arith.cmpi ne, %convert_element_type3A, %cond3A : i32
    scf.if %cond3A_11 {
      %mul3A_17 = arith.constant 625 : i32
      %mul3A_18 = arith.muli %arg1, %mul3A_17 : i32
      %mul3A_19 = arith.constant 625 : i32
      %mul3A_20 = arith.muli %arg1, %mul3A_19 : i32
      "tpu.region"() ({
        %run_scoped3A = tpu.sem_alloc : memref<!tpu.dma_semaphore, #tpu.memory_space<semaphore_mem>>
        %dma_start3A = arith.constant 0 : i32
        %dma_start3A_21 = tpu.memref_slice %arg5[%mul3A_20, %dma_start3A] : memref<10000x16xf32, #tpu.memory_space<hbm>> -> memref<625x16xf32, #tpu.memory_space<hbm>>
        %dma_start3A_22 = arith.constant 0 : i32
        %dma_start3A_23 = tpu.memref_slice %arg7[%mul3A_18, %dma_start3A_22] : memref<10016x16xf32, #tpu.memory_space<vmem_shared>> -> memref<625x16xf32, #tpu.memory_space<vmem_shared>>
        tpu.enqueue_dma source(%dma_start3A_23 : memref<625x16xf32, #tpu.memory_space<vmem_shared>>) target(%dma_start3A_21 : memref<625x16xf32, #tpu.memory_space<hbm>>) target_semaphore(%run_scoped3A : memref<!tpu.dma_semaphore, #tpu.memory_space<semaphore_mem>>)
        %dma_wait3A = arith.constant 0 : i32
        %dma_wait3A_24 = tpu.memref_slice %arg5[%mul3A_20, %dma_wait3A] : memref<10000x16xf32, #tpu.memory_space<hbm>> -> memref<625x16xf32, #tpu.memory_space<hbm>>
        %dma_wait3A_25 = arith.constant 0 : i32
        %dma_wait3A_26 = tpu.memref_slice %arg7[%mul3A_18, %dma_wait3A_25] : memref<10016x16xf32, #tpu.memory_space<vmem_shared>> -> memref<625x16xf32, #tpu.memory_space<vmem_shared>>
        tpu.wait_dma2 semaphore(%run_scoped3A : memref<!tpu.dma_semaphore, #tpu.memory_space<semaphore_mem>>) src(%dma_wait3A_26 : memref<625x16xf32, #tpu.memory_space<vmem_shared>>) dst(%dma_wait3A_24 : memref<625x16xf32, #tpu.memory_space<hbm>>)
        tpu.yield
      }) : () -> ()
    } else {
    }
    %eq3A_12 = arith.constant 1 : i32
    %eq3A_13 = arith.cmpi eq, %arg0, %eq3A_12 : i32
    %convert_element_type3A_14 = arith.extui %eq3A_13 : i1 to i32
    %cond3A_15 = arith.constant 0 : i32
    %cond3A_16 = arith.cmpi ne, %convert_element_type3A_14, %cond3A_15 : i32
    scf.if %cond3A_16 {
      %mul3A_17 = arith.constant 625 : i32
      %mul3A_18 = arith.muli %arg1, %mul3A_17 : i32
      %mul3A_19 = arith.constant 625 : i32
      %mul3A_20 = arith.muli %arg1, %mul3A_19 : i32
      "tpu.region"() ({
        %run_scoped3A = tpu.sem_alloc : memref<!tpu.dma_semaphore, #tpu.memory_space<semaphore_mem>>
        %dma_start3A = arith.constant 0 : i32
        %dma_start3A_21 = tpu.memref_slice %arg6[%mul3A_20, %dma_start3A] : memref<10000x16xf32, #tpu.memory_space<hbm>> -> memref<625x16xf32, #tpu.memory_space<hbm>>
        %dma_start3A_22 = arith.constant 0 : i32
        %dma_start3A_23 = tpu.memref_slice %arg7[%mul3A_18, %dma_start3A_22] : memref<10016x16xf32, #tpu.memory_space<vmem_shared>> -> memref<625x16xf32, #tpu.memory_space<vmem_shared>>
        tpu.enqueue_dma source(%dma_start3A_23 : memref<625x16xf32, #tpu.memory_space<vmem_shared>>) target(%dma_start3A_21 : memref<625x16xf32, #tpu.memory_space<hbm>>) target_semaphore(%run_scoped3A : memref<!tpu.dma_semaphore, #tpu.memory_space<semaphore_mem>>)
        %dma_wait3A = arith.constant 0 : i32
        %dma_wait3A_24 = tpu.memref_slice %arg6[%mul3A_20, %dma_wait3A] : memref<10000x16xf32, #tpu.memory_space<hbm>> -> memref<625x16xf32, #tpu.memory_space<hbm>>
        %dma_wait3A_25 = arith.constant 0 : i32
        %dma_wait3A_26 = tpu.memref_slice %arg7[%mul3A_18, %dma_wait3A_25] : memref<10016x16xf32, #tpu.memory_space<vmem_shared>> -> memref<625x16xf32, #tpu.memory_space<vmem_shared>>
        tpu.wait_dma2 semaphore(%run_scoped3A : memref<!tpu.dma_semaphore, #tpu.memory_space<semaphore_mem>>) src(%dma_wait3A_26 : memref<625x16xf32, #tpu.memory_space<vmem_shared>>) dst(%dma_wait3A_24 : memref<625x16xf32, #tpu.memory_space<hbm>>)
        tpu.yield
      }) : () -> ()
    } else {
    }
    return
  }
}

#map = affine_map<(d0, d1) -> (0, 0)>
#map1 = affine_map<(d0, d1) -> (0)>
module attributes {stable_mosaic.version = 14 : i64} {
  func.func @gs_kernel(%arg0: i32, %arg1: i32, %arg2: memref<10000x128xf32, #tpu.memory_space<hbm>>, %arg3: memref<331776xi32, #tpu.memory_space<hbm>>, %arg4: memref<331776xi32, #tpu.memory_space<hbm>>, %arg5: memref<625x128xf32, #tpu.memory_space<hbm>>, %arg6: memref<10000x128xf32, #tpu.memory_space<hbm>>, %arg7: memref<10000x128xf32, #tpu.memory_space<hbm>>, %arg8: memref<10016x128xf32, #tpu.memory_space<vmem_shared>>, %arg9: memref<192xi32, #tpu.memory_space<vmem>>, %arg10: memref<192xi32, #tpu.memory_space<vmem>>, %arg11: memref<192xi32, #tpu.memory_space<vmem>>, %arg12: memref<192xi32, #tpu.memory_space<vmem>>, %arg13: memref<192x128xf32, #tpu.memory_space<vmem>>, %arg14: memref<192x128xf32, #tpu.memory_space<vmem>>, %arg15: memref<!tpu.dma_semaphore, #tpu.memory_space<semaphore_mem>>, %arg16: memref<!tpu.dma_semaphore, #tpu.memory_space<semaphore_mem>>) attributes {dimension_semantics = [#tpu.dimension_semantics<core_parallel>, #tpu.dimension_semantics<subcore_parallel>], iteration_bounds = array<i64: 2, 16>, scalar_prefetch = 0 : i64, scratch_operands = 9 : i64, tpu.core_type = #tpu.core_type<sc_vector_subcore>, window_params = [{transform_indices = #map}, {transform_indices = #map1}, {transform_indices = #map1}, {transform_indices = #map}, {transform_indices = #map}, {transform_indices = #map}]} {
    %mul3A = arith.constant 16 : i32
    %mul3A_0 = arith.muli %arg0, %mul3A : i32
    %add3A = arith.addi %mul3A_0, %arg1 : i32
    %mul3A_1 = arith.constant 10368 : i32
    %mul3A_2 = arith.muli %add3A, %mul3A_1 : i32
    %eq3A = arith.constant 0 : i32
    %eq3A_3 = arith.cmpi eq, %arg0, %eq3A : i32
    %convert_element_type3A = arith.extui %eq3A_3 : i1 to i32
    %cond3A = arith.constant 0 : i32
    %cond3A_4 = arith.cmpi ne, %convert_element_type3A, %cond3A : i32
    scf.if %cond3A_4 {
      %mul3A_34 = arith.constant 625 : i32
      %mul3A_35 = arith.muli %arg1, %mul3A_34 : i32
      %mul3A_36 = arith.constant 625 : i32
      %mul3A_37 = arith.muli %arg1, %mul3A_36 : i32
      "tpu.region"() ({
        %run_scoped3A = tpu.sem_alloc : memref<!tpu.dma_semaphore, #tpu.memory_space<semaphore_mem>>
        %dma_start3A_38 = arith.constant 0 : i32
        %dma_start3A_39 = tpu.memref_slice %arg8[%mul3A_37, %dma_start3A_38] : memref<10016x128xf32, #tpu.memory_space<vmem_shared>> -> memref<625x128xf32, #tpu.memory_space<vmem_shared>>
        %dma_start3A_40 = arith.constant 0 : i32
        %dma_start3A_41 = tpu.memref_slice %arg2[%mul3A_35, %dma_start3A_40] : memref<10000x128xf32, #tpu.memory_space<hbm>> -> memref<625x128xf32, #tpu.memory_space<hbm>>
        tpu.enqueue_dma source(%dma_start3A_41 : memref<625x128xf32, #tpu.memory_space<hbm>>) target(%dma_start3A_39 : memref<625x128xf32, #tpu.memory_space<vmem_shared>>) target_semaphore(%run_scoped3A : memref<!tpu.dma_semaphore, #tpu.memory_space<semaphore_mem>>)
        %dma_wait3A = arith.constant 0 : i32
        %dma_wait3A_42 = tpu.memref_slice %arg8[%mul3A_37, %dma_wait3A] : memref<10016x128xf32, #tpu.memory_space<vmem_shared>> -> memref<625x128xf32, #tpu.memory_space<vmem_shared>>
        %dma_wait3A_43 = arith.constant 0 : i32
        %dma_wait3A_44 = tpu.memref_slice %arg2[%mul3A_35, %dma_wait3A_43] : memref<10000x128xf32, #tpu.memory_space<hbm>> -> memref<625x128xf32, #tpu.memory_space<hbm>>
        tpu.wait_dma2 semaphore(%run_scoped3A : memref<!tpu.dma_semaphore, #tpu.memory_space<semaphore_mem>>) src(%dma_wait3A_44 : memref<625x128xf32, #tpu.memory_space<hbm>>) dst(%dma_wait3A_42 : memref<625x128xf32, #tpu.memory_space<vmem_shared>>)
        tpu.yield
      }) : () -> ()
    } else {
    }
    %eq3A_5 = arith.constant 1 : i32
    %eq3A_6 = arith.cmpi eq, %arg0, %eq3A_5 : i32
    %convert_element_type3A_7 = arith.extui %eq3A_6 : i1 to i32
    %cond3A_8 = arith.constant 0 : i32
    %cond3A_9 = arith.cmpi ne, %convert_element_type3A_7, %cond3A_8 : i32
    scf.if %cond3A_9 {
      %mul3A_34 = arith.constant 625 : i32
      %mul3A_35 = arith.muli %arg1, %mul3A_34 : i32
      "tpu.region"() ({
        %run_scoped3A = tpu.sem_alloc : memref<!tpu.dma_semaphore, #tpu.memory_space<semaphore_mem>>
        %dma_start3A_36 = arith.constant 0 : i32
        %dma_start3A_37 = tpu.memref_slice %arg8[%mul3A_35, %dma_start3A_36] : memref<10016x128xf32, #tpu.memory_space<vmem_shared>> -> memref<625x128xf32, #tpu.memory_space<vmem_shared>>
        tpu.enqueue_dma source(%arg5 : memref<625x128xf32, #tpu.memory_space<hbm>>) target(%dma_start3A_37 : memref<625x128xf32, #tpu.memory_space<vmem_shared>>) target_semaphore(%run_scoped3A : memref<!tpu.dma_semaphore, #tpu.memory_space<semaphore_mem>>)
        %dma_wait3A = arith.constant 0 : i32
        %dma_wait3A_38 = tpu.memref_slice %arg8[%mul3A_35, %dma_wait3A] : memref<10016x128xf32, #tpu.memory_space<vmem_shared>> -> memref<625x128xf32, #tpu.memory_space<vmem_shared>>
        tpu.wait_dma2 semaphore(%run_scoped3A : memref<!tpu.dma_semaphore, #tpu.memory_space<semaphore_mem>>) src(%arg5 : memref<625x128xf32, #tpu.memory_space<hbm>>) dst(%dma_wait3A_38 : memref<625x128xf32, #tpu.memory_space<vmem_shared>>)
        tpu.yield
      }) : () -> ()
    } else {
    }
    %barrier3A = arith.constant 0 : index
    tpu.barrier barrier_id(%barrier3A)
    %add3A_10 = arith.constant 0 : i32
    %add3A_11 = arith.addi %mul3A_2, %add3A_10 : i32
    "tpu.region"() ({
      %run_scoped3A = tpu.sem_alloc : memref<!tpu.dma_semaphore, #tpu.memory_space<semaphore_mem>>
      %dma_start3A_34 = tpu.memref_slice %arg3[%add3A_11] : memref<331776xi32, #tpu.memory_space<hbm>> -> memref<192xi32, #tpu.memory_space<hbm>>
      %dma_start3A_35 = tpu.memref_slice %arg3[%add3A_11] : memref<331776xi32, #tpu.memory_space<hbm>> -> memref<192xi32, #tpu.memory_space<hbm>>
      tpu.enqueue_dma source(%dma_start3A_35 : memref<192xi32, #tpu.memory_space<hbm>>) target(%arg9 : memref<192xi32, #tpu.memory_space<vmem>>) target_semaphore(%run_scoped3A : memref<!tpu.dma_semaphore, #tpu.memory_space<semaphore_mem>>)
      %dma_wait3A = tpu.memref_slice %arg3[%add3A_11] : memref<331776xi32, #tpu.memory_space<hbm>> -> memref<192xi32, #tpu.memory_space<hbm>>
      %dma_wait3A_36 = tpu.memref_slice %arg3[%add3A_11] : memref<331776xi32, #tpu.memory_space<hbm>> -> memref<192xi32, #tpu.memory_space<hbm>>
      tpu.wait_dma2 semaphore(%run_scoped3A : memref<!tpu.dma_semaphore, #tpu.memory_space<semaphore_mem>>) src(%dma_wait3A_36 : memref<192xi32, #tpu.memory_space<hbm>>) dst(%arg9 : memref<192xi32, #tpu.memory_space<vmem>>)
      tpu.yield
    }) : () -> ()
    "tpu.region"() ({
      %run_scoped3A = tpu.sem_alloc : memref<!tpu.dma_semaphore, #tpu.memory_space<semaphore_mem>>
      %dma_start3A_34 = tpu.memref_slice %arg4[%add3A_11] : memref<331776xi32, #tpu.memory_space<hbm>> -> memref<192xi32, #tpu.memory_space<hbm>>
      %dma_start3A_35 = tpu.memref_slice %arg4[%add3A_11] : memref<331776xi32, #tpu.memory_space<hbm>> -> memref<192xi32, #tpu.memory_space<hbm>>
      tpu.enqueue_dma source(%dma_start3A_35 : memref<192xi32, #tpu.memory_space<hbm>>) target(%arg10 : memref<192xi32, #tpu.memory_space<vmem>>) target_semaphore(%run_scoped3A : memref<!tpu.dma_semaphore, #tpu.memory_space<semaphore_mem>>)
      %dma_wait3A = tpu.memref_slice %arg4[%add3A_11] : memref<331776xi32, #tpu.memory_space<hbm>> -> memref<192xi32, #tpu.memory_space<hbm>>
      %dma_wait3A_36 = tpu.memref_slice %arg4[%add3A_11] : memref<331776xi32, #tpu.memory_space<hbm>> -> memref<192xi32, #tpu.memory_space<hbm>>
      tpu.wait_dma2 semaphore(%run_scoped3A : memref<!tpu.dma_semaphore, #tpu.memory_space<semaphore_mem>>) src(%dma_wait3A_36 : memref<192xi32, #tpu.memory_space<hbm>>) dst(%arg10 : memref<192xi32, #tpu.memory_space<vmem>>)
      tpu.yield
    }) : () -> ()
    %dma_start3A = arith.constant 0 : i32
    %dma_start3A_12 = arith.constant 0 : i32
    %dma_start3A_13 = tpu.memref_slice %arg2[%dma_start3A, %dma_start3A_12] : memref<10000x128xf32, #tpu.memory_space<hbm>> -> memref<10000x128xf32, #tpu.memory_space<hbm>>
    tpu.enqueue_indirect_dma source(%dma_start3A_13 : memref<10000x128xf32, #tpu.memory_space<hbm>>) target(%arg13 : memref<192x128xf32, #tpu.memory_space<vmem>>) offsets(%arg9 : memref<192xi32, #tpu.memory_space<vmem>>) semaphore(%arg15 : memref<!tpu.dma_semaphore, #tpu.memory_space<semaphore_mem>>)
    %add3A_14 = arith.constant 192 : i32
    %add3A_15 = arith.addi %mul3A_2, %add3A_14 : i32
    "tpu.region"() ({
      %run_scoped3A = tpu.sem_alloc : memref<!tpu.dma_semaphore, #tpu.memory_space<semaphore_mem>>
      %dma_start3A_34 = tpu.memref_slice %arg3[%add3A_15] : memref<331776xi32, #tpu.memory_space<hbm>> -> memref<192xi32, #tpu.memory_space<hbm>>
      %dma_start3A_35 = tpu.memref_slice %arg3[%add3A_15] : memref<331776xi32, #tpu.memory_space<hbm>> -> memref<192xi32, #tpu.memory_space<hbm>>
      tpu.enqueue_dma source(%dma_start3A_35 : memref<192xi32, #tpu.memory_space<hbm>>) target(%arg11 : memref<192xi32, #tpu.memory_space<vmem>>) target_semaphore(%run_scoped3A : memref<!tpu.dma_semaphore, #tpu.memory_space<semaphore_mem>>)
      %dma_wait3A = tpu.memref_slice %arg3[%add3A_15] : memref<331776xi32, #tpu.memory_space<hbm>> -> memref<192xi32, #tpu.memory_space<hbm>>
      %dma_wait3A_36 = tpu.memref_slice %arg3[%add3A_15] : memref<331776xi32, #tpu.memory_space<hbm>> -> memref<192xi32, #tpu.memory_space<hbm>>
      tpu.wait_dma2 semaphore(%run_scoped3A : memref<!tpu.dma_semaphore, #tpu.memory_space<semaphore_mem>>) src(%dma_wait3A_36 : memref<192xi32, #tpu.memory_space<hbm>>) dst(%arg11 : memref<192xi32, #tpu.memory_space<vmem>>)
      tpu.yield
    }) : () -> ()
    "tpu.region"() ({
      %run_scoped3A = tpu.sem_alloc : memref<!tpu.dma_semaphore, #tpu.memory_space<semaphore_mem>>
      %dma_start3A_34 = tpu.memref_slice %arg4[%add3A_15] : memref<331776xi32, #tpu.memory_space<hbm>> -> memref<192xi32, #tpu.memory_space<hbm>>
      %dma_start3A_35 = tpu.memref_slice %arg4[%add3A_15] : memref<331776xi32, #tpu.memory_space<hbm>> -> memref<192xi32, #tpu.memory_space<hbm>>
      tpu.enqueue_dma source(%dma_start3A_35 : memref<192xi32, #tpu.memory_space<hbm>>) target(%arg12 : memref<192xi32, #tpu.memory_space<vmem>>) target_semaphore(%run_scoped3A : memref<!tpu.dma_semaphore, #tpu.memory_space<semaphore_mem>>)
      %dma_wait3A = tpu.memref_slice %arg4[%add3A_15] : memref<331776xi32, #tpu.memory_space<hbm>> -> memref<192xi32, #tpu.memory_space<hbm>>
      %dma_wait3A_36 = tpu.memref_slice %arg4[%add3A_15] : memref<331776xi32, #tpu.memory_space<hbm>> -> memref<192xi32, #tpu.memory_space<hbm>>
      tpu.wait_dma2 semaphore(%run_scoped3A : memref<!tpu.dma_semaphore, #tpu.memory_space<semaphore_mem>>) src(%dma_wait3A_36 : memref<192xi32, #tpu.memory_space<hbm>>) dst(%arg12 : memref<192xi32, #tpu.memory_space<vmem>>)
      tpu.yield
    }) : () -> ()
    %dma_start3A_16 = arith.constant 0 : i32
    %dma_start3A_17 = arith.constant 0 : i32
    %dma_start3A_18 = tpu.memref_slice %arg2[%dma_start3A_16, %dma_start3A_17] : memref<10000x128xf32, #tpu.memory_space<hbm>> -> memref<10000x128xf32, #tpu.memory_space<hbm>>
    tpu.enqueue_indirect_dma source(%dma_start3A_18 : memref<10000x128xf32, #tpu.memory_space<hbm>>) target(%arg14 : memref<192x128xf32, #tpu.memory_space<vmem>>) offsets(%arg11 : memref<192xi32, #tpu.memory_space<vmem>>) semaphore(%arg16 : memref<!tpu.dma_semaphore, #tpu.memory_space<semaphore_mem>>)
    %scan3A = arith.constant 0 : i32
    %scan3A_19 = arith.constant 27 : i32
    %scan3A_20 = arith.addi %scan3A, %scan3A_19 : i32
    %scan3A_21 = arith.constant 1 : i32
    scf.for %scan3A_34 = %scan3A to %scan3A_20 step %scan3A_21  : i32 {
      %mul3A_35 = arith.constant 1 : i32
      %mul3A_36 = arith.muli %scan3A_34, %mul3A_35 : i32
      %add3A_37 = arith.constant 0 : i32
      %add3A_38 = arith.addi %add3A_37, %mul3A_36 : i32
      %mul3A_39 = arith.constant 2 : i32
      %mul3A_40 = arith.muli %mul3A_39, %add3A_38 : i32
      %add3A_41 = arith.constant 0 : i32
      %add3A_42 = arith.addi %mul3A_40, %add3A_41 : i32
      %dma_wait3A = arith.constant 0 : i32
      %dma_wait3A_43 = arith.constant 0 : i32
      %dma_wait3A_44 = tpu.memref_slice %arg2[%dma_wait3A, %dma_wait3A_43] : memref<10000x128xf32, #tpu.memory_space<hbm>> -> memref<10000x128xf32, #tpu.memory_space<hbm>>
      tpu.wait_indirect_dma semaphore(%arg15 : memref<!tpu.dma_semaphore, #tpu.memory_space<semaphore_mem>>) src(%dma_wait3A_44 : memref<10000x128xf32, #tpu.memory_space<hbm>>) dst(%arg13 : memref<192x128xf32, #tpu.memory_space<vmem>>)
      "tpu.region"() ({
        %run_scoped3A = tpu.sem_alloc : memref<!tpu.dma_semaphore, #tpu.memory_space<semaphore_mem>>
        %dma_start3A_61 = arith.constant 0 : i32
        %dma_start3A_62 = arith.constant 0 : i32
        %dma_start3A_63 = tpu.memref_slice %arg8[%dma_start3A_61, %dma_start3A_62] : memref<10016x128xf32, #tpu.memory_space<vmem_shared>> -> memref<10016x128xf32, #tpu.memory_space<vmem_shared>>
        tpu.enqueue_indirect_dma source(%arg13 : memref<192x128xf32, #tpu.memory_space<vmem>>) target(%dma_start3A_63 : memref<10016x128xf32, #tpu.memory_space<vmem_shared>>) offsets(%arg10 : memref<192xi32, #tpu.memory_space<vmem>>) semaphore(%run_scoped3A : memref<!tpu.dma_semaphore, #tpu.memory_space<semaphore_mem>>) {add = true}
        %dma_wait3A_64 = arith.constant 0 : i32
        %dma_wait3A_65 = arith.constant 0 : i32
        %dma_wait3A_66 = tpu.memref_slice %arg8[%dma_wait3A_64, %dma_wait3A_65] : memref<10016x128xf32, #tpu.memory_space<vmem_shared>> -> memref<10016x128xf32, #tpu.memory_space<vmem_shared>>
        tpu.wait_indirect_dma semaphore(%run_scoped3A : memref<!tpu.dma_semaphore, #tpu.memory_space<semaphore_mem>>) src(%arg13 : memref<192x128xf32, #tpu.memory_space<vmem>>) dst(%dma_wait3A_66 : memref<10016x128xf32, #tpu.memory_space<vmem_shared>>)
        tpu.yield
      }) : () -> ()
      %lt3A = arith.constant 26 : i32
      %lt3A_45 = arith.cmpi slt, %add3A_38, %lt3A : i32
      %convert_element_type3A_46 = arith.extui %lt3A_45 : i1 to i32
      %cond3A_47 = arith.constant 0 : i32
      %cond3A_48 = arith.cmpi ne, %convert_element_type3A_46, %cond3A_47 : i32
      scf.if %cond3A_48 {
        %add3A_61 = arith.constant 2 : i32
        %add3A_62 = arith.addi %add3A_42, %add3A_61 : i32
        %mul3A_63 = arith.constant 192 : i32
        %mul3A_64 = arith.muli %add3A_62, %mul3A_63 : i32
        %add3A_65 = arith.addi %mul3A_2, %mul3A_64 : i32
        "tpu.region"() ({
          %run_scoped3A = tpu.sem_alloc : memref<!tpu.dma_semaphore, #tpu.memory_space<semaphore_mem>>
          %dma_start3A_69 = tpu.memref_slice %arg3[%add3A_65] : memref<331776xi32, #tpu.memory_space<hbm>> -> memref<192xi32, #tpu.memory_space<hbm>>
          %dma_start3A_70 = tpu.memref_slice %arg3[%add3A_65] : memref<331776xi32, #tpu.memory_space<hbm>> -> memref<192xi32, #tpu.memory_space<hbm>>
          tpu.enqueue_dma source(%dma_start3A_70 : memref<192xi32, #tpu.memory_space<hbm>>) target(%arg9 : memref<192xi32, #tpu.memory_space<vmem>>) target_semaphore(%run_scoped3A : memref<!tpu.dma_semaphore, #tpu.memory_space<semaphore_mem>>)
          %dma_wait3A_71 = tpu.memref_slice %arg3[%add3A_65] : memref<331776xi32, #tpu.memory_space<hbm>> -> memref<192xi32, #tpu.memory_space<hbm>>
          %dma_wait3A_72 = tpu.memref_slice %arg3[%add3A_65] : memref<331776xi32, #tpu.memory_space<hbm>> -> memref<192xi32, #tpu.memory_space<hbm>>
          tpu.wait_dma2 semaphore(%run_scoped3A : memref<!tpu.dma_semaphore, #tpu.memory_space<semaphore_mem>>) src(%dma_wait3A_72 : memref<192xi32, #tpu.memory_space<hbm>>) dst(%arg9 : memref<192xi32, #tpu.memory_space<vmem>>)
          tpu.yield
        }) : () -> ()
        "tpu.region"() ({
          %run_scoped3A = tpu.sem_alloc : memref<!tpu.dma_semaphore, #tpu.memory_space<semaphore_mem>>
          %dma_start3A_69 = tpu.memref_slice %arg4[%add3A_65] : memref<331776xi32, #tpu.memory_space<hbm>> -> memref<192xi32, #tpu.memory_space<hbm>>
          %dma_start3A_70 = tpu.memref_slice %arg4[%add3A_65] : memref<331776xi32, #tpu.memory_space<hbm>> -> memref<192xi32, #tpu.memory_space<hbm>>
          tpu.enqueue_dma source(%dma_start3A_70 : memref<192xi32, #tpu.memory_space<hbm>>) target(%arg10 : memref<192xi32, #tpu.memory_space<vmem>>) target_semaphore(%run_scoped3A : memref<!tpu.dma_semaphore, #tpu.memory_space<semaphore_mem>>)
          %dma_wait3A_71 = tpu.memref_slice %arg4[%add3A_65] : memref<331776xi32, #tpu.memory_space<hbm>> -> memref<192xi32, #tpu.memory_space<hbm>>
          %dma_wait3A_72 = tpu.memref_slice %arg4[%add3A_65] : memref<331776xi32, #tpu.memory_space<hbm>> -> memref<192xi32, #tpu.memory_space<hbm>>
          tpu.wait_dma2 semaphore(%run_scoped3A : memref<!tpu.dma_semaphore, #tpu.memory_space<semaphore_mem>>) src(%dma_wait3A_72 : memref<192xi32, #tpu.memory_space<hbm>>) dst(%arg10 : memref<192xi32, #tpu.memory_space<vmem>>)
          tpu.yield
        }) : () -> ()
        %dma_start3A_66 = arith.constant 0 : i32
        %dma_start3A_67 = arith.constant 0 : i32
        %dma_start3A_68 = tpu.memref_slice %arg2[%dma_start3A_66, %dma_start3A_67] : memref<10000x128xf32, #tpu.memory_space<hbm>> -> memref<10000x128xf32, #tpu.memory_space<hbm>>
        tpu.enqueue_indirect_dma source(%dma_start3A_68 : memref<10000x128xf32, #tpu.memory_space<hbm>>) target(%arg13 : memref<192x128xf32, #tpu.memory_space<vmem>>) offsets(%arg9 : memref<192xi32, #tpu.memory_space<vmem>>) semaphore(%arg15 : memref<!tpu.dma_semaphore, #tpu.memory_space<semaphore_mem>>)
      } else {
      }
      %mul3A_49 = arith.constant 2 : i32
      %mul3A_50 = arith.muli %mul3A_49, %add3A_38 : i32
      %add3A_51 = arith.constant 1 : i32
      %add3A_52 = arith.addi %mul3A_50, %add3A_51 : i32
      %dma_wait3A_53 = arith.constant 0 : i32
      %dma_wait3A_54 = arith.constant 0 : i32
      %dma_wait3A_55 = tpu.memref_slice %arg2[%dma_wait3A_53, %dma_wait3A_54] : memref<10000x128xf32, #tpu.memory_space<hbm>> -> memref<10000x128xf32, #tpu.memory_space<hbm>>
      tpu.wait_indirect_dma semaphore(%arg16 : memref<!tpu.dma_semaphore, #tpu.memory_space<semaphore_mem>>) src(%dma_wait3A_55 : memref<10000x128xf32, #tpu.memory_space<hbm>>) dst(%arg14 : memref<192x128xf32, #tpu.memory_space<vmem>>)
      "tpu.region"() ({
        %run_scoped3A = tpu.sem_alloc : memref<!tpu.dma_semaphore, #tpu.memory_space<semaphore_mem>>
        %dma_start3A_61 = arith.constant 0 : i32
        %dma_start3A_62 = arith.constant 0 : i32
        %dma_start3A_63 = tpu.memref_slice %arg8[%dma_start3A_61, %dma_start3A_62] : memref<10016x128xf32, #tpu.memory_space<vmem_shared>> -> memref<10016x128xf32, #tpu.memory_space<vmem_shared>>
        tpu.enqueue_indirect_dma source(%arg14 : memref<192x128xf32, #tpu.memory_space<vmem>>) target(%dma_start3A_63 : memref<10016x128xf32, #tpu.memory_space<vmem_shared>>) offsets(%arg12 : memref<192xi32, #tpu.memory_space<vmem>>) semaphore(%run_scoped3A : memref<!tpu.dma_semaphore, #tpu.memory_space<semaphore_mem>>) {add = true}
        %dma_wait3A_64 = arith.constant 0 : i32
        %dma_wait3A_65 = arith.constant 0 : i32
        %dma_wait3A_66 = tpu.memref_slice %arg8[%dma_wait3A_64, %dma_wait3A_65] : memref<10016x128xf32, #tpu.memory_space<vmem_shared>> -> memref<10016x128xf32, #tpu.memory_space<vmem_shared>>
        tpu.wait_indirect_dma semaphore(%run_scoped3A : memref<!tpu.dma_semaphore, #tpu.memory_space<semaphore_mem>>) src(%arg14 : memref<192x128xf32, #tpu.memory_space<vmem>>) dst(%dma_wait3A_66 : memref<10016x128xf32, #tpu.memory_space<vmem_shared>>)
        tpu.yield
      }) : () -> ()
      %lt3A_56 = arith.constant 26 : i32
      %lt3A_57 = arith.cmpi slt, %add3A_38, %lt3A_56 : i32
      %convert_element_type3A_58 = arith.extui %lt3A_57 : i1 to i32
      %cond3A_59 = arith.constant 0 : i32
      %cond3A_60 = arith.cmpi ne, %convert_element_type3A_58, %cond3A_59 : i32
      scf.if %cond3A_60 {
        %add3A_61 = arith.constant 2 : i32
        %add3A_62 = arith.addi %add3A_52, %add3A_61 : i32
        %mul3A_63 = arith.constant 192 : i32
        %mul3A_64 = arith.muli %add3A_62, %mul3A_63 : i32
        %add3A_65 = arith.addi %mul3A_2, %mul3A_64 : i32
        "tpu.region"() ({
          %run_scoped3A = tpu.sem_alloc : memref<!tpu.dma_semaphore, #tpu.memory_space<semaphore_mem>>
          %dma_start3A_69 = tpu.memref_slice %arg3[%add3A_65] : memref<331776xi32, #tpu.memory_space<hbm>> -> memref<192xi32, #tpu.memory_space<hbm>>
          %dma_start3A_70 = tpu.memref_slice %arg3[%add3A_65] : memref<331776xi32, #tpu.memory_space<hbm>> -> memref<192xi32, #tpu.memory_space<hbm>>
          tpu.enqueue_dma source(%dma_start3A_70 : memref<192xi32, #tpu.memory_space<hbm>>) target(%arg11 : memref<192xi32, #tpu.memory_space<vmem>>) target_semaphore(%run_scoped3A : memref<!tpu.dma_semaphore, #tpu.memory_space<semaphore_mem>>)
          %dma_wait3A_71 = tpu.memref_slice %arg3[%add3A_65] : memref<331776xi32, #tpu.memory_space<hbm>> -> memref<192xi32, #tpu.memory_space<hbm>>
          %dma_wait3A_72 = tpu.memref_slice %arg3[%add3A_65] : memref<331776xi32, #tpu.memory_space<hbm>> -> memref<192xi32, #tpu.memory_space<hbm>>
          tpu.wait_dma2 semaphore(%run_scoped3A : memref<!tpu.dma_semaphore, #tpu.memory_space<semaphore_mem>>) src(%dma_wait3A_72 : memref<192xi32, #tpu.memory_space<hbm>>) dst(%arg11 : memref<192xi32, #tpu.memory_space<vmem>>)
          tpu.yield
        }) : () -> ()
        "tpu.region"() ({
          %run_scoped3A = tpu.sem_alloc : memref<!tpu.dma_semaphore, #tpu.memory_space<semaphore_mem>>
          %dma_start3A_69 = tpu.memref_slice %arg4[%add3A_65] : memref<331776xi32, #tpu.memory_space<hbm>> -> memref<192xi32, #tpu.memory_space<hbm>>
          %dma_start3A_70 = tpu.memref_slice %arg4[%add3A_65] : memref<331776xi32, #tpu.memory_space<hbm>> -> memref<192xi32, #tpu.memory_space<hbm>>
          tpu.enqueue_dma source(%dma_start3A_70 : memref<192xi32, #tpu.memory_space<hbm>>) target(%arg12 : memref<192xi32, #tpu.memory_space<vmem>>) target_semaphore(%run_scoped3A : memref<!tpu.dma_semaphore, #tpu.memory_space<semaphore_mem>>)
          %dma_wait3A_71 = tpu.memref_slice %arg4[%add3A_65] : memref<331776xi32, #tpu.memory_space<hbm>> -> memref<192xi32, #tpu.memory_space<hbm>>
          %dma_wait3A_72 = tpu.memref_slice %arg4[%add3A_65] : memref<331776xi32, #tpu.memory_space<hbm>> -> memref<192xi32, #tpu.memory_space<hbm>>
          tpu.wait_dma2 semaphore(%run_scoped3A : memref<!tpu.dma_semaphore, #tpu.memory_space<semaphore_mem>>) src(%dma_wait3A_72 : memref<192xi32, #tpu.memory_space<hbm>>) dst(%arg12 : memref<192xi32, #tpu.memory_space<vmem>>)
          tpu.yield
        }) : () -> ()
        %dma_start3A_66 = arith.constant 0 : i32
        %dma_start3A_67 = arith.constant 0 : i32
        %dma_start3A_68 = tpu.memref_slice %arg2[%dma_start3A_66, %dma_start3A_67] : memref<10000x128xf32, #tpu.memory_space<hbm>> -> memref<10000x128xf32, #tpu.memory_space<hbm>>
        tpu.enqueue_indirect_dma source(%dma_start3A_68 : memref<10000x128xf32, #tpu.memory_space<hbm>>) target(%arg14 : memref<192x128xf32, #tpu.memory_space<vmem>>) offsets(%arg11 : memref<192xi32, #tpu.memory_space<vmem>>) semaphore(%arg16 : memref<!tpu.dma_semaphore, #tpu.memory_space<semaphore_mem>>)
      } else {
      }
    }
    %scan3A_22 = arith.constant 27 : i32
    %barrier3A_23 = arith.constant 0 : index
    tpu.barrier barrier_id(%barrier3A_23)
    %eq3A_24 = arith.constant 0 : i32
    %eq3A_25 = arith.cmpi eq, %arg0, %eq3A_24 : i32
    %convert_element_type3A_26 = arith.extui %eq3A_25 : i1 to i32
    %cond3A_27 = arith.constant 0 : i32
    %cond3A_28 = arith.cmpi ne, %convert_element_type3A_26, %cond3A_27 : i32
    scf.if %cond3A_28 {
      %mul3A_34 = arith.constant 625 : i32
      %mul3A_35 = arith.muli %arg1, %mul3A_34 : i32
      %mul3A_36 = arith.constant 625 : i32
      %mul3A_37 = arith.muli %arg1, %mul3A_36 : i32
      "tpu.region"() ({
        %run_scoped3A = tpu.sem_alloc : memref<!tpu.dma_semaphore, #tpu.memory_space<semaphore_mem>>
        %dma_start3A_38 = arith.constant 0 : i32
        %dma_start3A_39 = tpu.memref_slice %arg6[%mul3A_37, %dma_start3A_38] : memref<10000x128xf32, #tpu.memory_space<hbm>> -> memref<625x128xf32, #tpu.memory_space<hbm>>
        %dma_start3A_40 = arith.constant 0 : i32
        %dma_start3A_41 = tpu.memref_slice %arg8[%mul3A_35, %dma_start3A_40] : memref<10016x128xf32, #tpu.memory_space<vmem_shared>> -> memref<625x128xf32, #tpu.memory_space<vmem_shared>>
        tpu.enqueue_dma source(%dma_start3A_41 : memref<625x128xf32, #tpu.memory_space<vmem_shared>>) target(%dma_start3A_39 : memref<625x128xf32, #tpu.memory_space<hbm>>) target_semaphore(%run_scoped3A : memref<!tpu.dma_semaphore, #tpu.memory_space<semaphore_mem>>)
        %dma_wait3A = arith.constant 0 : i32
        %dma_wait3A_42 = tpu.memref_slice %arg6[%mul3A_37, %dma_wait3A] : memref<10000x128xf32, #tpu.memory_space<hbm>> -> memref<625x128xf32, #tpu.memory_space<hbm>>
        %dma_wait3A_43 = arith.constant 0 : i32
        %dma_wait3A_44 = tpu.memref_slice %arg8[%mul3A_35, %dma_wait3A_43] : memref<10016x128xf32, #tpu.memory_space<vmem_shared>> -> memref<625x128xf32, #tpu.memory_space<vmem_shared>>
        tpu.wait_dma2 semaphore(%run_scoped3A : memref<!tpu.dma_semaphore, #tpu.memory_space<semaphore_mem>>) src(%dma_wait3A_44 : memref<625x128xf32, #tpu.memory_space<vmem_shared>>) dst(%dma_wait3A_42 : memref<625x128xf32, #tpu.memory_space<hbm>>)
        tpu.yield
      }) : () -> ()
    } else {
    }
    %eq3A_29 = arith.constant 1 : i32
    %eq3A_30 = arith.cmpi eq, %arg0, %eq3A_29 : i32
    %convert_element_type3A_31 = arith.extui %eq3A_30 : i1 to i32
    %cond3A_32 = arith.constant 0 : i32
    %cond3A_33 = arith.cmpi ne, %convert_element_type3A_31, %cond3A_32 : i32
    scf.if %cond3A_33 {
      %mul3A_34 = arith.constant 625 : i32
      %mul3A_35 = arith.muli %arg1, %mul3A_34 : i32
      %mul3A_36 = arith.constant 625 : i32
      %mul3A_37 = arith.muli %arg1, %mul3A_36 : i32
      "tpu.region"() ({
        %run_scoped3A = tpu.sem_alloc : memref<!tpu.dma_semaphore, #tpu.memory_space<semaphore_mem>>
        %dma_start3A_38 = arith.constant 0 : i32
        %dma_start3A_39 = tpu.memref_slice %arg7[%mul3A_37, %dma_start3A_38] : memref<10000x128xf32, #tpu.memory_space<hbm>> -> memref<625x128xf32, #tpu.memory_space<hbm>>
        %dma_start3A_40 = arith.constant 0 : i32
        %dma_start3A_41 = tpu.memref_slice %arg8[%mul3A_35, %dma_start3A_40] : memref<10016x128xf32, #tpu.memory_space<vmem_shared>> -> memref<625x128xf32, #tpu.memory_space<vmem_shared>>
        tpu.enqueue_dma source(%dma_start3A_41 : memref<625x128xf32, #tpu.memory_space<vmem_shared>>) target(%dma_start3A_39 : memref<625x128xf32, #tpu.memory_space<hbm>>) target_semaphore(%run_scoped3A : memref<!tpu.dma_semaphore, #tpu.memory_space<semaphore_mem>>)
        %dma_wait3A = arith.constant 0 : i32
        %dma_wait3A_42 = tpu.memref_slice %arg7[%mul3A_37, %dma_wait3A] : memref<10000x128xf32, #tpu.memory_space<hbm>> -> memref<625x128xf32, #tpu.memory_space<hbm>>
        %dma_wait3A_43 = arith.constant 0 : i32
        %dma_wait3A_44 = tpu.memref_slice %arg8[%mul3A_35, %dma_wait3A_43] : memref<10016x128xf32, #tpu.memory_space<vmem_shared>> -> memref<625x128xf32, #tpu.memory_space<vmem_shared>>
        tpu.wait_dma2 semaphore(%run_scoped3A : memref<!tpu.dma_semaphore, #tpu.memory_space<semaphore_mem>>) src(%dma_wait3A_44 : memref<625x128xf32, #tpu.memory_space<vmem_shared>>) dst(%dma_wait3A_42 : memref<625x128xf32, #tpu.memory_space<hbm>>)
        tpu.yield
      }) : () -> ()
    } else {
    }
    return
  }
}

module attributes {stable_mosaic.version = 14 : i64} {
  func.func @body(%arg0: i32, %arg1: memref<1000x128xf32, #tpu.memory_space<vmem>>, %arg2: memref<128x128xf32, #tpu.memory_space<vmem>>, %arg3: memref<1000x128xf32, #tpu.memory_space<vmem>>) attributes {dimension_semantics = [#tpu.dimension_semantics<arbitrary>], iteration_bounds = array<i64: 10>, scalar_prefetch = 0 : i64, scratch_operands = 0 : i64, tpu.core_type = #tpu.core_type<tc>, window_params = [{transform_indices = @transform_0, window_bounds = array<i64: 1000, 128>}, {pipeline_mode = #tpu.pipeline_mode<synchronous>, transform_indices = @transform_1, window_bounds = array<i64: 128, 128>}, {transform_indices = @transform_2, window_bounds = array<i64: 1000, 128>}]} {
    %get3A = arith.constant 0 : index
    %get3A_0 = arith.constant 0 : index
    %get3A_1 = vector.load %arg1[%get3A, %get3A_0] : memref<1000x128xf32, #tpu.memory_space<vmem>>, vector<1000x128xf32>
    %get3A_2 = arith.constant 0 : index
    %get3A_3 = arith.constant 0 : index
    %get3A_4 = vector.load %arg2[%get3A_2, %get3A_3] : memref<128x128xf32, #tpu.memory_space<vmem>>, vector<128x128xf32>
    %dot_general3A = arith.constant dense<0.000000e+00> : vector<1000x128xf32>
    %dot_general3A_5 = tpu.matmul %get3A_1, %get3A_4, %dot_general3A {dimension_numbers = #tpu.dot_dimension_numbers<[1], [0], [0], [1], [0, 0, 1, 1], [], []>, transpose_lhs_hint = false} : vector<1000x128xf32>, vector<128x128xf32>, vector<1000x128xf32> -> vector<1000x128xf32>
    %swap3A = arith.constant 0 : index
    %swap3A_6 = arith.constant 0 : index
    %swap3A_7 = vector.load %arg3[%swap3A, %swap3A_6] : memref<1000x128xf32, #tpu.memory_space<vmem>>, vector<1000x128xf32>
    tpu.vector_store %arg3[%swap3A, %swap3A_6], %dot_general3A_5 {strides = array<i32>} : memref<1000x128xf32, #tpu.memory_space<vmem>>, vector<1000x128xf32>,
    return
  }
  func.func @transform_0(%arg0: i32) -> (i32, i32) {
    %c0_i32 = arith.constant 0 : i32
    %c0_i32_0 = arith.constant 0 : i32
    return %arg0, %c0_i32 : i32, i32
  }
  func.func @transform_1(%arg0: i32) -> (i32, i32) {
    %c0_i32 = arith.constant 0 : i32
    %c0_i32_0 = arith.constant 0 : i32
    %c0_i32_1 = arith.constant 0 : i32
    return %c0_i32, %c0_i32_0 : i32, i32
  }
  func.func @transform_2(%arg0: i32) -> (i32, i32) {
    %c0_i32 = arith.constant 0 : i32
    %c0_i32_0 = arith.constant 0 : i32
    return %arg0, %c0_i32 : i32, i32
  }
}

module attributes {stable_mosaic.version = 14 : i64} {
  func.func @body(%arg0: i32, %arg1: memref<1000x128xf32, #tpu.memory_space<vmem>>, %arg2: memref<1000x16xf32, #tpu.memory_space<vmem>>, %arg3: memref<1000x16xf32, #tpu.memory_space<vmem>>, %arg4: memref<1000x128xf32, #tpu.memory_space<vmem>>) attributes {dimension_semantics = [#tpu.dimension_semantics<arbitrary>], iteration_bounds = array<i64: 10>, scalar_prefetch = 0 : i64, scratch_operands = 0 : i64, tpu.core_type = #tpu.core_type<tc>, window_params = [{transform_indices = @transform_0, window_bounds = array<i64: 1000, 128>}, {transform_indices = @transform_1, window_bounds = array<i64: 1000, 16>}, {transform_indices = @transform_2, window_bounds = array<i64: 1000, 16>}, {transform_indices = @transform_3, window_bounds = array<i64: 1000, 128>}]} {
    %get3A = arith.constant 0 : index
    %get3A_0 = arith.constant 0 : index
    %get3A_1 = vector.load %arg1[%get3A, %get3A_0] : memref<1000x128xf32, #tpu.memory_space<vmem>>, vector<1000x128xf32>
    %get3A_2 = arith.constant 0 : index
    %get3A_3 = arith.constant 0 : index
    %get3A_4 = vector.load %arg2[%get3A_2, %get3A_3] : memref<1000x16xf32, #tpu.memory_space<vmem>>, vector<1000x1xf32>
    %get3A_5 = arith.constant 0 : index
    %get3A_6 = arith.constant 0 : index
    %get3A_7 = vector.load %arg3[%get3A_5, %get3A_6] : memref<1000x16xf32, #tpu.memory_space<vmem>>, vector<1000x1xf32>
    %add3A = arith.addf %get3A_4, %get3A_7 : vector<1000x1xf32>
    %add3A_8 = arith.constant 1.000000e+00 : f32
    %add3A_9 = vector.broadcast %add3A_8 : f32 to vector<1000x1xf32>
    %add3A_10 = arith.addf %add3A, %add3A_9 : vector<1000x1xf32>
    %rsqrt3A = math.rsqrt %add3A_10 : vector<1000x1xf32>
    %mul3A = vector.broadcast %rsqrt3A : vector<1000x1xf32> to vector<1000x128xf32>
    %mul3A_11 = arith.mulf %get3A_1, %mul3A : vector<1000x128xf32>
    %swap3A = arith.constant 0 : index
    %swap3A_12 = arith.constant 0 : index
    %swap3A_13 = vector.load %arg4[%swap3A, %swap3A_12] : memref<1000x128xf32, #tpu.memory_space<vmem>>, vector<1000x128xf32>
    tpu.vector_store %arg4[%swap3A, %swap3A_12], %mul3A_11 {strides = array<i32>} : memref<1000x128xf32, #tpu.memory_space<vmem>>, vector<1000x128xf32>,
    return
  }
  func.func @transform_0(%arg0: i32) -> (i32, i32) {
    %c0_i32 = arith.constant 0 : i32
    %c0_i32_0 = arith.constant 0 : i32
    return %arg0, %c0_i32 : i32, i32
  }
  func.func @transform_1(%arg0: i32) -> (i32, i32) {
    %c0_i32 = arith.constant 0 : i32
    %c0_i32_0 = arith.constant 0 : i32
    return %arg0, %c0_i32 : i32, i32
  }
  func.func @transform_2(%arg0: i32) -> (i32, i32) {
    %c0_i32 = arith.constant 0 : i32
    %c0_i32_0 = arith.constant 0 : i32
    return %arg0, %c0_i32 : i32, i32
  }
  func.func @transform_3(%arg0: i32) -> (i32, i32) {
    %c0_i32 = arith.constant 0 : i32
    %c0_i32_0 = arith.constant 0 : i32
    return %arg0, %c0_i32 : i32, i32
  }
}

module attributes {stable_mosaic.version = 14 : i64} {
  func.func @body(%arg0: i32, %arg1: memref<1000x128xf32, #tpu.memory_space<vmem>>, %arg2: memref<1000x128xf32, #tpu.memory_space<vmem>>, %arg3: memref<1000x16xf32, #tpu.memory_space<vmem>>, %arg4: memref<1000x16xf32, #tpu.memory_space<vmem>>, %arg5: memref<1x128xf32, #tpu.memory_space<vmem>>, %arg6: memref<1000x128xf32, #tpu.memory_space<vmem>>) attributes {dimension_semantics = [#tpu.dimension_semantics<arbitrary>], iteration_bounds = array<i64: 10>, scalar_prefetch = 0 : i64, scratch_operands = 0 : i64, tpu.core_type = #tpu.core_type<tc>, window_params = [{transform_indices = @transform_0, window_bounds = array<i64: 1000, 128>}, {transform_indices = @transform_1, window_bounds = array<i64: 1000, 128>}, {transform_indices = @transform_2, window_bounds = array<i64: 1000, 16>}, {transform_indices = @transform_3, window_bounds = array<i64: 1000, 16>}, {pipeline_mode = #tpu.pipeline_mode<synchronous>, transform_indices = @transform_4, window_bounds = array<i64: 1, 128>}, {transform_indices = @transform_5, window_bounds = array<i64: 1000, 128>}]} {
    %get3A = arith.constant 0 : index
    %get3A_0 = arith.constant 0 : index
    %get3A_1 = vector.load %arg3[%get3A, %get3A_0] : memref<1000x16xf32, #tpu.memory_space<vmem>>, vector<1000x1xf32>
    %get3A_2 = arith.constant 0 : index
    %get3A_3 = arith.constant 0 : index
    %get3A_4 = vector.load %arg4[%get3A_2, %get3A_3] : memref<1000x16xf32, #tpu.memory_space<vmem>>, vector<1000x1xf32>
    %add3A = arith.addf %get3A_1, %get3A_4 : vector<1000x1xf32>
    %add3A_5 = arith.constant 1.000000e+00 : f32
    %add3A_6 = vector.broadcast %add3A_5 : f32 to vector<1000x1xf32>
    %add3A_7 = arith.addf %add3A, %add3A_6 : vector<1000x1xf32>
    %rsqrt3A = math.rsqrt %add3A_7 : vector<1000x1xf32>
    %get3A_8 = arith.constant 0 : index
    %get3A_9 = arith.constant 0 : index
    %get3A_10 = vector.load %arg1[%get3A_8, %get3A_9] : memref<1000x128xf32, #tpu.memory_space<vmem>>, vector<1000x128xf32>
    %get3A_11 = arith.constant 0 : index
    %get3A_12 = arith.constant 0 : index
    %get3A_13 = vector.load %arg2[%get3A_11, %get3A_12] : memref<1000x128xf32, #tpu.memory_space<vmem>>, vector<1000x128xf32>
    %add3A_14 = arith.addf %get3A_10, %get3A_13 : vector<1000x128xf32>
    %mul3A = vector.broadcast %rsqrt3A : vector<1000x1xf32> to vector<1000x128xf32>
    %mul3A_15 = arith.mulf %mul3A, %add3A_14 : vector<1000x128xf32>
    %get3A_16 = arith.constant 0 : index
    %get3A_17 = arith.constant 0 : index
    %get3A_18 = vector.load %arg5[%get3A_16, %get3A_17] : memref<1x128xf32, #tpu.memory_space<vmem>>, vector<1x128xf32>
    %add3A_19 = vector.broadcast %get3A_18 : vector<1x128xf32> to vector<1000x128xf32>
    %add3A_20 = arith.addf %mul3A_15, %add3A_19 : vector<1000x128xf32>
    %swap3A = arith.constant 0 : index
    %swap3A_21 = arith.constant 0 : index
    %swap3A_22 = vector.load %arg6[%swap3A, %swap3A_21] : memref<1000x128xf32, #tpu.memory_space<vmem>>, vector<1000x128xf32>
    tpu.vector_store %arg6[%swap3A, %swap3A_21], %add3A_20 {strides = array<i32>} : memref<1000x128xf32, #tpu.memory_space<vmem>>, vector<1000x128xf32>,
    return
  }
  func.func @transform_0(%arg0: i32) -> (i32, i32) {
    %c0_i32 = arith.constant 0 : i32
    %c0_i32_0 = arith.constant 0 : i32
    return %arg0, %c0_i32 : i32, i32
  }
  func.func @transform_1(%arg0: i32) -> (i32, i32) {
    %c0_i32 = arith.constant 0 : i32
    %c0_i32_0 = arith.constant 0 : i32
    return %arg0, %c0_i32 : i32, i32
  }
  func.func @transform_2(%arg0: i32) -> (i32, i32) {
    %c0_i32 = arith.constant 0 : i32
    %c0_i32_0 = arith.constant 0 : i32
    return %arg0, %c0_i32 : i32, i32
  }
  func.func @transform_3(%arg0: i32) -> (i32, i32) {
    %c0_i32 = arith.constant 0 : i32
    %c0_i32_0 = arith.constant 0 : i32
    return %arg0, %c0_i32 : i32, i32
  }
  func.func @transform_4(%arg0: i32) -> (i32, i32) {
    %c0_i32 = arith.constant 0 : i32
    %c0_i32_0 = arith.constant 0 : i32
    %c0_i32_1 = arith.constant 0 : i32
    return %c0_i32, %c0_i32_0 : i32, i32
  }
  func.func @transform_5(%arg0: i32) -> (i32, i32) {
    %c0_i32 = arith.constant 0 : i32
    %c0_i32_0 = arith.constant 0 : i32
    return %arg0, %c0_i32 : i32, i32
  }
}

module attributes {stable_mosaic.version = 14 : i64} {
  func.func @body(%arg0: i32, %arg1: memref<1000x128xf32, #tpu.memory_space<vmem>>, %arg2: memref<1000x128xf32, #tpu.memory_space<vmem>>, %arg3: memref<1000x16xf32, #tpu.memory_space<vmem>>, %arg4: memref<1000x16xf32, #tpu.memory_space<vmem>>, %arg5: memref<1x128xf32, #tpu.memory_space<vmem>>, %arg6: memref<128x128xf32, #tpu.memory_space<vmem>>, %arg7: memref<1000x128xf32, #tpu.memory_space<vmem>>) attributes {dimension_semantics = [#tpu.dimension_semantics<arbitrary>], iteration_bounds = array<i64: 10>, scalar_prefetch = 0 : i64, scratch_operands = 0 : i64, tpu.core_type = #tpu.core_type<tc>, window_params = [{transform_indices = @transform_0, window_bounds = array<i64: 1000, 128>}, {transform_indices = @transform_1, window_bounds = array<i64: 1000, 128>}, {transform_indices = @transform_2, window_bounds = array<i64: 1000, 16>}, {transform_indices = @transform_3, window_bounds = array<i64: 1000, 16>}, {pipeline_mode = #tpu.pipeline_mode<synchronous>, transform_indices = @transform_4, window_bounds = array<i64: 1, 128>}, {pipeline_mode = #tpu.pipeline_mode<synchronous>, transform_indices = @transform_5, window_bounds = array<i64: 128, 128>}, {transform_indices = @transform_6, window_bounds = array<i64: 1000, 128>}]} {
    %get3A = arith.constant 0 : index
    %get3A_0 = arith.constant 0 : index
    %get3A_1 = vector.load %arg3[%get3A, %get3A_0] : memref<1000x16xf32, #tpu.memory_space<vmem>>, vector<1000x1xf32>
    %get3A_2 = arith.constant 0 : index
    %get3A_3 = arith.constant 0 : index
    %get3A_4 = vector.load %arg4[%get3A_2, %get3A_3] : memref<1000x16xf32, #tpu.memory_space<vmem>>, vector<1000x1xf32>
    %add3A = arith.addf %get3A_1, %get3A_4 : vector<1000x1xf32>
    %add3A_5 = arith.constant 1.000000e+00 : f32
    %add3A_6 = vector.broadcast %add3A_5 : f32 to vector<1000x1xf32>
    %add3A_7 = arith.addf %add3A, %add3A_6 : vector<1000x1xf32>
    %rsqrt3A = math.rsqrt %add3A_7 : vector<1000x1xf32>
    %get3A_8 = arith.constant 0 : index
    %get3A_9 = arith.constant 0 : index
    %get3A_10 = vector.load %arg1[%get3A_8, %get3A_9] : memref<1000x128xf32, #tpu.memory_space<vmem>>, vector<1000x128xf32>
    %get3A_11 = arith.constant 0 : index
    %get3A_12 = arith.constant 0 : index
    %get3A_13 = vector.load %arg2[%get3A_11, %get3A_12] : memref<1000x128xf32, #tpu.memory_space<vmem>>, vector<1000x128xf32>
    %add3A_14 = arith.addf %get3A_10, %get3A_13 : vector<1000x128xf32>
    %mul3A = vector.broadcast %rsqrt3A : vector<1000x1xf32> to vector<1000x128xf32>
    %mul3A_15 = arith.mulf %mul3A, %add3A_14 : vector<1000x128xf32>
    %get3A_16 = arith.constant 0 : index
    %get3A_17 = arith.constant 0 : index
    %get3A_18 = vector.load %arg5[%get3A_16, %get3A_17] : memref<1x128xf32, #tpu.memory_space<vmem>>, vector<1x128xf32>
    %add3A_19 = vector.broadcast %get3A_18 : vector<1x128xf32> to vector<1000x128xf32>
    %add3A_20 = arith.addf %mul3A_15, %add3A_19 : vector<1000x128xf32>
    %max3A = arith.constant 0.000000e+00 : f32
    %max3A_21 = vector.broadcast %max3A : f32 to vector<1000x128xf32>
    %max3A_22 = arith.maximumf %add3A_20, %max3A_21 : vector<1000x128xf32>
    %get3A_23 = arith.constant 0 : index
    %get3A_24 = arith.constant 0 : index
    %get3A_25 = vector.load %arg6[%get3A_23, %get3A_24] : memref<128x128xf32, #tpu.memory_space<vmem>>, vector<128x128xf32>
    %dot_general3A = arith.constant dense<0.000000e+00> : vector<1000x128xf32>
    %dot_general3A_26 = tpu.matmul %max3A_22, %get3A_25, %dot_general3A {dimension_numbers = #tpu.dot_dimension_numbers<[1], [0], [0], [1], [0, 0, 1, 1], [], []>, transpose_lhs_hint = false} : vector<1000x128xf32>, vector<128x128xf32>, vector<1000x128xf32> -> vector<1000x128xf32>
    %mul3A_27 = vector.broadcast %rsqrt3A : vector<1000x1xf32> to vector<1000x128xf32>
    %mul3A_28 = arith.mulf %dot_general3A_26, %mul3A_27 : vector<1000x128xf32>
    %swap3A = arith.constant 0 : index
    %swap3A_29 = arith.constant 0 : index
    %swap3A_30 = vector.load %arg7[%swap3A, %swap3A_29] : memref<1000x128xf32, #tpu.memory_space<vmem>>, vector<1000x128xf32>
    tpu.vector_store %arg7[%swap3A, %swap3A_29], %mul3A_28 {strides = array<i32>} : memref<1000x128xf32, #tpu.memory_space<vmem>>, vector<1000x128xf32>,
    return
  }
  func.func @transform_0(%arg0: i32) -> (i32, i32) {
    %c0_i32 = arith.constant 0 : i32
    %c0_i32_0 = arith.constant 0 : i32
    return %arg0, %c0_i32 : i32, i32
  }
  func.func @transform_1(%arg0: i32) -> (i32, i32) {
    %c0_i32 = arith.constant 0 : i32
    %c0_i32_0 = arith.constant 0 : i32
    return %arg0, %c0_i32 : i32, i32
  }
  func.func @transform_2(%arg0: i32) -> (i32, i32) {
    %c0_i32 = arith.constant 0 : i32
    %c0_i32_0 = arith.constant 0 : i32
    return %arg0, %c0_i32 : i32, i32
  }
  func.func @transform_3(%arg0: i32) -> (i32, i32) {
    %c0_i32 = arith.constant 0 : i32
    %c0_i32_0 = arith.constant 0 : i32
    return %arg0, %c0_i32 : i32, i32
  }
  func.func @transform_4(%arg0: i32) -> (i32, i32) {
    %c0_i32 = arith.constant 0 : i32
    %c0_i32_0 = arith.constant 0 : i32
    %c0_i32_1 = arith.constant 0 : i32
    return %c0_i32, %c0_i32_0 : i32, i32
  }
  func.func @transform_5(%arg0: i32) -> (i32, i32) {
    %c0_i32 = arith.constant 0 : i32
    %c0_i32_0 = arith.constant 0 : i32
    %c0_i32_1 = arith.constant 0 : i32
    return %c0_i32, %c0_i32_0 : i32, i32
  }
  func.func @transform_6(%arg0: i32) -> (i32, i32) {
    %c0_i32 = arith.constant 0 : i32
    %c0_i32_0 = arith.constant 0 : i32
    return %arg0, %c0_i32 : i32, i32
  }
}

</mosaic_0001>

<sc_bundles>
// kernel: kernel.12.cloned.1.call-start
scs
__scs_entry_jumppad:
0x0: {  	(pc) =	sbr.rel $0x88, $3  }
0x1: {  	(tag) =	ssettag $0x0;
	lr =	simm.s32 $0x1  }
0x2: {  	[smem:$0x3F9B] =	sst lr;
	_ =	strace $0xD0000000  }
0x3: {  	_ = 	snop  }
0x4: {  	_ = 	snop  }
0x5: {  	_ = 	snop  }
0x6: {  	_ = 	snop  }
0x7: {  	_ = 	snop  }
__scs_overlays_trampoline_lowered:
0x8: {  	[smem:$0x3FAA] =	sst s0  }
0x9: {  	[smem:$0x3FAB] =	sst s1  }
0xa: {  	[smem:$0x3FAC] =	sst s2  }
0xb: {  	[smem:$0x3FAD] =	sst s3  }
0xc: {  	[smem:$0x3FAE] =	sst s4  }
0xd: {  	[smem:$0x3FAF] =	sst s5  }
0xe: {  	[smem:$0x3FB0] =	sst s6  }
0xf: {  	[smem:$0x3FB1] =	sst s7  }
0x10: {  	[smem:$0x3FB2] =	sst s8  }
0x11: {  	[smem:$0x3FB3] =	sst s9;
	s0 =	simm.s32 @!p0 $0x0  }
0x12: {  	s1 =	sld [smem:$0x3F99];
	s0 =	simm.s32 @p0 $0x1  }
0x13: {  	[smem:$0x3FB4] =	sst s0;
	s0 =	simm.s32 @!p1 $0x0  }
0x14: {  	s2 =	sld [smem:$0x3F98];
	s0 =	simm.s32 @p1 $0x1  }
0x15: {  	[smem:$0x3FB5] =	sst s0;
	s0 =	simm.s32 @!p2 $0x0  }
0x16: {  	s3 =	sld [smem:$0x3FDB];
	s0 =	simm.s32 @p2 $0x1  }
0x17: {  	s4 =	simm.s32 $0x1BF5;
	[smem:$0x3FB7] =	sst s0  }
0x18: {  	s0 =	sld [smem:$0x3F9A];
	_ =	swait.ge [sflag:s4], $0x0  }
0x19: {  	s7 =	sld [smem:$0x3F9B]  }
0x1a: {  	s8 =	sadd.s32 $0xFFFFE003, lr  }
0x1b: {  	s9 =	sadd.s32 $0xFFFFFEF7, lr;
	s5 =	simm.s32 $0xFFFFFFFF;
	p2 =	slt.u32 s8, $0xFFFFF086  }
0x1c: {  	p1 =	slt.u32 s9, $0xF7A;
	s5 =	simm.s32 @!p2 $0x0  }
0x1d: {  	s5 =	simm.s32 @p1 $0x1;
	p0 =	seq.s32 s7, s2  }
0x1e: {  	s7 =	smul.u32 @!p0 $0xF7A, s2;
	p2 =	seq.s32 @!p0 s5, $0x0  }
0x1f: {  	s9 =	smul.u32 $0xF7A, s1;
	s8 =	simm.s32 @!p0 $0x1BF5;
	p2 =	por !p2, p0  }
0x20: {  	[sflag:s8] =	ssyncset.s32 @!p0 $0xFFFFF086;
	s6 =	sadd.s32 @!p0 s3, s7;
	s7 =	simm.s32 @!p0 $0x108  }
0x21: {  	s3 =	sadd.s32 s3, s9;
	s6 =	sadd.s32 @!p0 $0x88, s6;
	s7 =	simm.s32 @p2 $0x1082  }
0x22: {  	[simem:s7], [sflag:s8] =	dma.local @!p0 [hbm:s6], $0xF7A  }
0x23: {  	s9 =	sor.u32 $0xD0000000, s2;
	s6 =	simm.s32 $0x108;
	_ =	swait.ge @!p0 [sflag:s8], $0x0  }
0x24: {  	s3 =	sadd.s32 $0x88, s3;
	s6 =	simm.s32 @!p1 $0x1082;
	[sflag:s4] =	ssyncset.s32 $0xFFFFF086  }
0x25: {  	[simem:s6], [sflag:s4] =	dma.local [hbm:s3], $0xF7A  }
0x26: {  	[smem:$0x3F9B] =	sst s1;
	(tag) =	ssettag s2;
	_ =	strace s9  }
0x27: {  	s1 =	sld [smem:$0x3FAB]  }
0x28: {  	s2 =	sld [smem:$0x3FAC]  }
0x29: {  	s4 =	sld [smem:$0x3FAE]  }
0x2a: {  	p0 =	seq.s32 s5, $0x0;
	s5 =	sld [smem:$0x3FAF]  }
0x2b: {  	s6 =	sld [smem:$0x3FB0]  }
0x2c: {  	s7 =	sld [smem:$0x3FB1]  }
0x2d: {  	s3 =	simm.s32 $0x108;
	s8 =	sld [smem:$0x3FB2]  }
0x2e: {  	s3 =	simm.s32 @!p0 $0x1082;
	s9 =	sld [smem:$0x3FB3]  }
0x2f: {  	lr =	sadd.s32 s0, s3;
	s0 =	sld [smem:$0x3FAA]  }
0x30: {  	s3 =	sld [smem:$0x3FAD]  }
0x31: {  	[smem:$0x3FB6] =	sst s10  }
0x32: {  	s10 =	sld [smem:$0x3FB4];
	_ =	sdelay $0x3  }
0x33: {  	p0 =	seq.s32 s10, $0x1;
	s10 =	sld [smem:$0x3FB6];
	_ =	sdelay $0x3  }
0x34: {  	[smem:$0x3FB6] =	sst s10  }
0x35: {  	s10 =	sld [smem:$0x3FB5];
	_ =	sdelay $0x3  }
0x36: {  	p1 =	seq.s32 s10, $0x1;
	s10 =	sld [smem:$0x3FB6];
	_ =	sdelay $0x3  }
0x37: {  	[smem:$0x3FB6] =	sst s10  }
0x38: {  	s10 =	sld [smem:$0x3FB7]  }
0x39: {  	_ = 	snop;
	(pc) =	sbr.ind lr, $3  }
0x3a: {  	_ = 	snop  }
0x3b: {  	_ = 	snop  }
0x3c: {  	p2 =	seq.s32 s10, $0x1;
	s10 =	sld [smem:$0x3FB6]  }
0x3d: {  	_ =	shalt  }
0x3e: {  	_ =	shalt  }
0x3f: {  	_ =	shalt  }
0x40: {  	_ =	shalt  }
0x41: {  	_ =	shalt  }
0x42: {  	_ =	shalt  }
0x43: {  	_ =	shalt  }
0x44: {  	_ =	shalt  }
0x45: {  	_ =	shalt  }
0x46: {  	_ =	shalt  }
0x47: {  	_ =	shalt  }
0x48: {  	_ =	shalt  }
0x49: {  	_ =	shalt  }
0x4a: {  	_ =	shalt  }
0x4b: {  	_ =	shalt  }
0x4c: {  	_ =	shalt  }
0x4d: {  	_ =	shalt  }
0x4e: {  	_ =	shalt  }
0x4f: {  	_ =	shalt  }
0x50: {  	_ =	shalt  }
0x51: {  	_ =	shalt  }
0x52: {  	_ =	shalt  }
0x53: {  	_ =	shalt  }
0x54: {  	_ =	shalt  }
0x55: {  	_ =	shalt  }
0x56: {  	_ =	shalt  }
0x57: {  	_ =	shalt  }
0x58: {  	_ =	shalt  }
0x59: {  	_ =	shalt  }
0x5a: {  	_ =	shalt  }
0x5b: {  	_ =	shalt  }
0x5c: {  	_ =	shalt  }
0x5d: {  	_ =	shalt  }
0x5e: {  	_ =	shalt  }
0x5f: {  	_ =	shalt  }
0x60: {  	_ =	shalt  }
0x61: {  	_ =	shalt  }
0x62: {  	_ =	shalt  }
0x63: {  	_ =	shalt  }
0x64: {  	_ =	shalt  }
0x65: {  	_ =	shalt  }
0x66: {  	_ =	shalt  }
0x67: {  	_ =	shalt  }
0x68: {  	_ =	shalt  }
0x69: {  	_ =	shalt  }
0x6a: {  	_ =	shalt  }
0x6b: {  	_ =	shalt  }
0x6c: {  	_ =	shalt  }
0x6d: {  	_ =	shalt  }
0x6e: {  	_ =	shalt  }
0x6f: {  	_ =	shalt  }
0x70: {  	_ =	shalt  }
0x71: {  	_ =	shalt  }
0x72: {  	_ =	shalt  }
0x73: {  	_ =	shalt  }
0x74: {  	_ =	shalt  }
0x75: {  	_ =	shalt  }
0x76: {  	_ =	shalt  }
0x77: {  	_ =	shalt  }
0x78: {  	_ =	shalt  }
0x79: {  	_ =	shalt  }
0x7a: {  	_ =	shalt  }
0x7b: {  	_ =	shalt  }
0x7c: {  	_ =	shalt  }
0x7d: {  	_ =	shalt  }
0x7e: {  	_ =	shalt  }
0x7f: {  	_ =	shalt  }
0x80: {  	_ =	shalt  }
0x81: {  	_ =	shalt  }
0x82: {  	_ =	shalt  }
0x83: {  	_ =	shalt  }
0x84: {  	_ =	shalt  }
0x85: {  	_ =	shalt  }
0x86: {  	_ =	shalt  }
0x87: {  	_ =	shalt  }
.Lfunc_end0:
.L_simem_size_0:
called_computation.1_lowered:
.L_overlay_start_0:
0x88: {  	s2 =	sld [smem:$0x3FD9]  }
0x89: {  	s3 =	sld [smem:$0x3FFE];
	_ =	sdelay $0x1  }
0x8a: {  	s1 =	srdreg.scid  }
0x8b: {  	s0 =	sand.u32 $0x1, s1  }
0x8c: {  	s17 =	sshll.u32 s0, $0xA;
	s2 =	sadd.s32 s3, s2  }
0x8d: {  	s2 =	sadd.s32 s2, s17  }
0x8e: {  	[smem:$0x3FC2] =	sst s2  }
0x8f: {  	_ = 	snop  }
0x90: {  	s2 =	sld [smem:$0x3FD0];
	(tm) =	ssettm $0x1  }
0x91: {  	s18 =	sld [smem:$0x3FFB];
	_ =	sdelay $0x3  }
0x92: {  	_ =	strace s18  }
0x93: {  	s3 =	sld [smem:$0x3FFC];
	_ =	sdelay $0x3  }
0x94: {  	_ =	strace s3  }
0x95: {  	s3 =	sld [smem:$0x3FFD];
	_ =	sdelay $0x3  }
0x96: {  	_ =	strace s3  }
0x97: {  	_ =	strace $0x8FFFFFFF  }
0x98: {  	s19 =	sld [smem:$0x3FDB];
	_ =	sdelay $0x1  }
0x99: {  	s4 =	simm.s32 $_scs_section_size  }
0x9a: {  	s5 =	simm.s32 $_size__tile_overlayer_lowered;
	s6 =	simm.s32 $_tile_overlayer_lowered  }
0x9b: {  	s22 =	simm.s32 $0x1BFF;
	s21 =	sshll.u32 s6, $0x1;
	s3 =	sadd.s32 s4, s19  }
0x9c: {  	s7 =	simm.s32 $0x0;
	s20 =	sshll.u32 s5, $0x1;
	s5 =	sadd.s32 s21, s3  }
0x9d: {  	[timem:s7], [sflag:s22] =	dma.local [hbm:s5], s20  }
0x9e: {  	_ =	swait.ge [sflag:s22], s20  }
0x9f: {  	s4 =	ssub.s32 $0x0, s20;
	[sflag:s22] =	ssyncset.done $0x0  }
0xa0: {  	[sflag:s22] =	ssyncadd.s32 s4;
	_ =	sdelay $0x1  }
0xa1: {  	s23 =	simm.s32 $0x1B8B  }
0xa2: {  	_ =	swait.ge [sflag:s23], $0x1  }
0xa3: {  	[sflag:s23] =	ssyncset.done $0x0  }
0xa4: {  	s25 =	simm.s32 $0x1B8E;
	s24 =	sld [smem:$0x3FFE];
	[sflag:s23] =	ssyncadd.s32 $0xFFFFFFFF  }
0xa5: {  	s26 =	simm.s32 $execute0_lowered;
	[smem:$0x3FD2] =	sst s25  }
0xa6: {  	s5 =	sshll.u32 s26, $0x1;
	_ =	strace $0x80000049;
	[dreg:$0x1] =	wrdreg $0xFFFFFFFF  }
0xa7: {  	s28 =	simm.s32 $_size_execute0_lowered;
	s3 =	sadd.s32 s3, s5;
	[dreg:$0x0] =	wrdreg $0x0  }
0xa8: {  	s5 =	sshll.u32 s28, $0x1;
	[dreg:$0x2] =	wrdreg s3  }
0xa9: {  	[dreg:$0x3] =	wrdreg s5  }
0xaa: {  	[dreg:$0x4] =	wrdreg $0xC0  }
0xab: {  	_ =	task [dreg:s7], $0x5FFFF  }
0xac: {  	[dreg:$0x1] =	wrdreg $0xFFFFFFFF  }
0xad: {  	[dreg:$0x0] =	wrdreg $0x60  }
0xae: {  	[dreg:$0x2] =	wrdreg s2  }
0xaf: {  	[dreg:$0x3] =	wrdreg s24  }
0xb0: {  	[dreg:$0x4] =	wrdreg $0x0  }
0xb1: {  	[dreg:$0x5] =	wrdreg $0x9  }
0xb2: {  	_ =	task.clear_ibuf [dreg:s7], $0x6FFFF;
	_ =	strace $0x90000049  }
0xb3: {  	s29 =	simm.s32 $0x9;
	_ =	strace $0x8000004B  }
0xb4: {  	_ =	swait.ge [sflag:s29], $0x1  }
0xb5: {  	[sflag:s29] =	ssyncadd.s32 $0xFFFFFFFF  }
0xb6: {  	_ =	strace $0x9000004B  }
0xb7: {  	_ =	sfence  }
0xb8: {  	s30 =	sld [smem:$0x0];
	_ =	sdelay $0x2  }
0xb9: {  	s31 =	sshll.u32 s1, $0xD;
	s1 =	sshrl.u32 s1, $0x2  }
0xba: {  	s3 =	sand.u32 $0x4000, s31;
	s1 =	sadd.s32 s1, s30  }
0xbb: {  	s0 =	sor.u32 s3, s0;
	s1 =	sshll.u32 s1, $0x11  }
0xbc: {  	s0 =	sor.u32 s1, s0  }
0xbd: {  	s0 =	sadd.s32 $0x8F2B, s0  }
0xbe: {  	[sflag:s0] =	ssyncadd.remote.s32 $0x1  }
0xbf: {  	_ =	sfence.sel $0xFFFF  }
0xc0: {  	[dreg:$0x0] =	wrdreg $0xFFFFFFFF;
	(pc) =	sbr.abs _section_cstart, $3  }
0xc1: {  	[dreg:$0x1] =	wrdreg $0xFFFFFFFF  }
0xc2: {  	_ =	task.clear_ibuf [dreg:s7], $0x2FFFF;
	_ =	strace $0x9FFFFFFF  }
0xc3: {  	(tm) =	ssettm $0x7FFFFFFF  }
tec
execute0_lowered:
.L_overlay_start_1:
0x0: {  	(tag) =	ssettag $0x1  }
0x1: {  	s1 =	rddreg [dreg:$0x0]  }
0x2: {  	s0 =	rddreg [dreg:$0x1]  }
0x3: {  	s2 =	rddreg [dreg:$0x2];
	s3 =	simm.s32 $0x0  }
0x4: {  	s4 =	srdreg.scid;
	s21 =	stileid.u32;
	s17 =	simm.s32 $0x44600  }
0x5: {  	s28 =	simm.s32 $0x13A80;
	s29 =	simm.s32 $0x13B40;
	s30 =	simm.s32 $0x19C00  }
0x6: {  	s31 =	simm.s32 $0x1;
	[smem:$0x7FF] =	sst s3;
	s9 =	smul.u32 $0x4E200, s21  }
0x7: {  	s4 =	sand.u32 $0x1, s4;
	s5 =	sadd.s32 $0x13200, s0;
	s20 =	smul.u32 $0x13880, s21  }
0x8: {  	s6 =	sadd.s32 $0x3800, s0;
	s10 =	sadd.s32 $0xDA00, s0;
	s14 =	smul.u32 $0x2880, s21  }
0x9: {  	_ =	strace $0x8000004A;
	s7 =	ssub.s32 $0x2, s4;
	[dreg:$0x4] =	wrdreg s10  }
0xa: {  	s19 =	sshll.u32 s4, $0x4;
	p0 =	seq.s32 s4, $0x0;
	s13 =	smul.u32 $0x28800, s4  }
0xb: {  	s8 =	sshrl.u32 s7, $0x1;
	s9 =	sshrl.u32 s9, $0x2;
	s15 =	sshrl.u32 s20, $0x3  }
0xc: {  	s17 =	simm.s32 @!p0 $0x6B800;
	p0 =	sne.s32 s4, $0x0;
	s4 =	simm.s32 $0x0  }
0xd: {  	s7 =	ssub.s32 s7, s8;
	s8 =	sor.u32 s21, s19;
	s9 =	sadd.s32 s9, s2  }
0xe: {  	s10 =	sadd.s32 s1, s15;
	s18 =	sadd.s32 s14, s13;
	s0 =	sadd.s32 s17, s0  }
0xf: {  	s11 =	smul.u32 $0x2880, s8;
	s8 =	sadd.s32 s20, s2;
	[dreg:$0x5] =	wrdreg s10  }
0x10: {  	s25 =	sadd.s32 $0x240, s18;
	s14 =	smax.u32 s7, $0x1;
	s15 =	sadd.s32 s0, s15  }
0x11: {  	s18 =	sadd.s32 $0x180, s18;
	s0 =	sshll.u32 @p0 s21, $0x6;
	s20 =	sshrl.u32 @p0 s9, $0x3  }
0x12: {  	s26 =	sshrl.u32 s25, $0x3;
	s19 =	sor.u32 @p0 $0x1C03, s0;
	s0 =	sshll.u32 @!p0 s21, $0x6  }
0x13: {  	s25 =	simm.s32 $0xC0;
	s12 =	sshrl.u32 s11, $0x3;
	s17 =	sadd.s32 s26, s5  }
0x14: {  	s21 =	sor.u32 @!p0 $0x1C03, s0;
	s0 =	simm.s32 $0x2;
	s22 =	sadd.s32 s5, s12  }
0x15: {  	s23 =	sadd.s32 s6, s12;
	s16 =	sadd.s32 $0x18, s12;
	[dreg:$0x6] =	wrdreg s22  }
0x16: {  	[dreg:$0x7] =	wrdreg s23;
	s24 =	sadd.s32 s5, s16;
	s13 =	sadd.s32 s6, s16  }
0x17: {  	s16 =	sadd.s32 s26, s6;
	s22 =	simm.s32 $0x3;
	s23 =	simm.s32 $0x13900  }
0x18: {  	s26 =	simm.s32 $0x13C00;
	[dreg:$0x8] =	wrdreg s24;
	s24 =	simm.s32 $0x139C0  }
.LBB2_1:
0x19: {  	s7 =	rddreg [dreg:$0x4]  }
0x1a: {  	[spmem:s20], [sflag:s19] =	dma.local @p0 [hbm:s7], $0x2710  }
0x1b: {  	s7 =	sshrl.u32 @!p0 s8, $0x3;
	s9 =	rddreg [dreg:$0x5]  }
0x1c: {  	[spmem:s7], [sflag:s21] =	dma.local @!p0 [hbm:s9], $0x2710  }
0x1d: {  	_ =	swait.ge [sflag:s22], $0x2710  }
0x1e: {  	[sflag:s22] =	ssyncset.done $0x0  }
0x1f: {  	[sflag:s22] =	ssyncadd.s32 $0xFFFFD8F0  }
0x20: {  	[bflag:$0x0] =	sbarrier.arrive $0xFFFF  }
0x21: {  	s9 =	rddreg [dreg:$0x6]  }
0x22: {  	[tilespmem:s23], [sflag:$0x3] =	stream.linear.gather [hbm4b:s9+s3], $0xC0, $0x38;
	[tilespmem:$0x1FC00] =	vst v63  }
0x23: {  	_ =	swait.ge [sflag:s22], $0xC0  }
0x24: {  	[sflag:s22] =	ssyncset.done $0x0  }
0x25: {  	s10 =	rddreg [dreg:$0x7];
	[sflag:s22] =	ssyncadd.s32 $0xFFFFFF40  }
0x26: {  	[tilespmem:s24], [sflag:$0x3] =	stream.linear.gather [hbm4b:s10+s3], $0xC0, $0x38;
	[tilespmem:$0x1FC00] =	vst v63  }
0x27: {  	_ =	swait.ge [sflag:s22], $0xC0  }
0x28: {  	[sflag:s22] =	ssyncset.done $0x0  }
0x29: {  	[sflag:s22] =	ssyncadd.s32 $0xFFFFFF40  }
0x2a: {  	[tilespmem:s26], [sflag:$0x1] =	stream.indirect.gather [hbm4b:s1+s25], $0x80, s23, s25, $0xb8;
	[tilespmem:$0x1FC00] =	vst v63  }
0x2b: {  	s11 =	rddreg [dreg:$0x8]  }
0x2c: {  	[tilespmem:s28], [sflag:$0x3] =	stream.linear.gather [hbm4b:s11+s3], $0xC0, $0x38;
	[tilespmem:$0x1FC00] =	vst v63  }
0x2d: {  	_ =	swait.ge [sflag:s22], $0xC0  }
0x2e: {  	[sflag:s22] =	ssyncset.done $0x0  }
0x2f: {  	[sflag:s22] =	ssyncadd.s32 $0xFFFFFF40  }
0x30: {  	[tilespmem:s29], [sflag:$0x3] =	stream.linear.gather [hbm4b:s13+s3], $0xC0, $0x38;
	[tilespmem:$0x1FC00] =	vst v63  }
0x31: {  	_ =	swait.ge [sflag:s22], $0xC0  }
0x32: {  	[sflag:s22] =	ssyncset.done $0x0  }
0x33: {  	[sflag:s22] =	ssyncadd.s32 $0xFFFFFF40  }
0x34: {  	[tilespmem:s30], [sflag:$0x2] =	stream.indirect.gather [hbm4b:s1+s25], $0x80, s28, s25, $0xb8;
	[tilespmem:$0x1FC00] =	vst v63  }
0x35: {  	_ =	swait.ge [sflag:s31], $0x6000  }
0x36: {  	[sflag:s31] =	ssyncset.done $0x0  }
0x37: {  	[sflag:s31] =	ssyncadd.s32 $0xFFFFA000  }
0x38: {  	[spmem:s2] =	stream.indirect.scatter.add.f32 [tilespmem:s26], [sflag:$0x3], $0x80, s24, s25, $0xb8;
	[tilespmem:$0x1FC00] =	vst v63  }
0x39: {  	_ =	swait.ge [sflag:s22], $0x6000  }
0x3a: {  	s12 =	sshrl.u32 s18, $0x3;
	[sflag:s22] =	ssyncset.done $0x0  }
0x3b: {  	s10 =	sadd.s32 s5, s12;
	[sflag:s22] =	ssyncadd.s32 $0xFFFFA000  }
0x3c: {  	[tilespmem:s23], [sflag:$0x3] =	stream.linear.gather [hbm4b:s10+s3], $0xC0, $0x38;
	[tilespmem:$0x1FC00] =	vst v63  }
0x3d: {  	_ =	swait.ge [sflag:s22], $0xC0  }
0x3e: {  	[sflag:s22] =	ssyncset.done $0x0  }
0x3f: {  	s7 =	sadd.s32 s6, s12;
	[sflag:s22] =	ssyncadd.s32 $0xFFFFFF40  }
0x40: {  	[tilespmem:s24], [sflag:$0x3] =	stream.linear.gather [hbm4b:s7+s3], $0xC0, $0x38;
	[tilespmem:$0x1FC00] =	vst v63  }
0x41: {  	_ =	swait.ge [sflag:s22], $0xC0  }
0x42: {  	[sflag:s22] =	ssyncset.done $0x0  }
0x43: {  	[sflag:s22] =	ssyncadd.s32 $0xFFFFFF40  }
0x44: {  	[tilespmem:s26], [sflag:$0x1] =	stream.indirect.gather [hbm4b:s1+s25], $0x80, s23, s25, $0xb8;
	[tilespmem:$0x1FC00] =	vst v63  }
0x45: {  	_ =	swait.ge [sflag:s0], $0x6000  }
0x46: {  	[sflag:s0] =	ssyncset.done $0x0  }
0x47: {  	[sflag:s0] =	ssyncadd.s32 $0xFFFFA000  }
0x48: {  	[spmem:s2] =	stream.indirect.scatter.add.f32 [tilespmem:s30], [sflag:$0x3], $0x80, s29, s25, $0xb8;
	[tilespmem:$0x1FC00] =	vst v63  }
0x49: {  	_ =	swait.ge [sflag:s22], $0x6000  }
0x4a: {  	[sflag:s22] =	ssyncset.done $0x0  }
0x4b: {  	s11 =	sadd.s32 $0x0, s17;
	[sflag:s22] =	ssyncadd.s32 $0xFFFFA000  }
0x4c: {  	[tilespmem:s28], [sflag:$0x3] =	stream.linear.gather [hbm4b:s11+s3], $0xC0, $0x38;
	[tilespmem:$0x1FC00] =	vst v63  }
0x4d: {  	_ =	swait.ge [sflag:s22], $0xC0  }
0x4e: {  	[sflag:s22] =	ssyncset.done $0x0  }
0x4f: {  	s12 =	sadd.s32 $0x0, s16;
	[sflag:s22] =	ssyncadd.s32 $0xFFFFFF40  }
0x50: {  	[tilespmem:s29], [sflag:$0x3] =	stream.linear.gather [hbm4b:s12+s3], $0xC0, $0x38;
	[tilespmem:$0x1FC00] =	vst v63  }
0x51: {  	_ =	swait.ge [sflag:s22], $0xC0  }
0x52: {  	[sflag:s22] =	ssyncset.done $0x0  }
0x53: {  	s9 =	sadd.s32 $0x180, s18;
	s7 =	simm.s32 $0x30;
	[sflag:s22] =	ssyncadd.s32 $0xFFFFFF40  }
.LBB2_2:
0x54: {  	[tilespmem:s30], [sflag:$0x2] =	stream.indirect.gather [hbm4b:s1+s25], $0x80, s28, s25, $0xb8;
	[tilespmem:$0x1FC00] =	vst v63  }
0x55: {  	s10 =	smov.u32 s7  }
0x56: {  	p1 =	sne.s32 s7, $0x4B0;
	s7 =	sadd.s32 $0x30, s7;
	_ =	swait.ge [sflag:s31], $0x6000  }
0x57: {  	[sflag:s31] =	ssyncset.done $0x0  }
0x58: {  	[sflag:s31] =	ssyncadd.s32 $0xFFFFA000  }
0x59: {  	[spmem:s2] =	stream.indirect.scatter.add.f32 [tilespmem:s26], [sflag:$0x3], $0x80, s24, s25, $0xb8;
	[tilespmem:$0x1FC00] =	vst v63  }
0x5a: {  	_ =	swait.ge [sflag:s22], $0x6000  }
0x5b: {  	s11 =	sshrl.u32 s9, $0x3;
	[sflag:s22] =	ssyncset.done $0x0  }
0x5c: {  	s12 =	sadd.s32 s5, s11;
	[sflag:s22] =	ssyncadd.s32 $0xFFFFA000  }
0x5d: {  	[tilespmem:s23], [sflag:$0x3] =	stream.linear.gather [hbm4b:s12+s3], $0xC0, $0x38;
	[tilespmem:$0x1FC00] =	vst v63  }
0x5e: {  	_ =	swait.ge [sflag:s22], $0xC0  }
0x5f: {  	[sflag:s22] =	ssyncset.done $0x0  }
0x60: {  	s11 =	sadd.s32 s6, s11;
	[sflag:s22] =	ssyncadd.s32 $0xFFFFFF40  }
0x61: {  	[tilespmem:s24], [sflag:$0x3] =	stream.linear.gather [hbm4b:s11+s3], $0xC0, $0x38;
	[tilespmem:$0x1FC00] =	vst v63  }
0x62: {  	_ =	swait.ge [sflag:s22], $0xC0  }
0x63: {  	[sflag:s22] =	ssyncset.done $0x0  }
0x64: {  	[sflag:s22] =	ssyncadd.s32 $0xFFFFFF40  }
0x65: {  	[tilespmem:s26], [sflag:$0x1] =	stream.indirect.gather [hbm4b:s1+s25], $0x80, s23, s25, $0xb8;
	[tilespmem:$0x1FC00] =	vst v63  }
0x66: {  	_ =	swait.ge [sflag:s0], $0x6000  }
0x67: {  	[sflag:s0] =	ssyncset.done $0x0  }
0x68: {  	[sflag:s0] =	ssyncadd.s32 $0xFFFFA000  }
0x69: {  	[spmem:s2] =	stream.indirect.scatter.add.f32 [tilespmem:s30], [sflag:$0x3], $0x80, s29, s25, $0xb8;
	[tilespmem:$0x1FC00] =	vst v63  }
0x6a: {  	_ =	swait.ge [sflag:s22], $0x6000  }
0x6b: {  	[sflag:s22] =	ssyncset.done $0x0  }
0x6c: {  	s11 =	sadd.s32 s10, s17;
	[sflag:s22] =	ssyncadd.s32 $0xFFFFA000  }
0x6d: {  	[tilespmem:s28], [sflag:$0x3] =	stream.linear.gather [hbm4b:s11+s3], $0xC0, $0x38;
	[tilespmem:$0x1FC00] =	vst v63  }
0x6e: {  	_ =	swait.ge [sflag:s22], $0xC0  }
0x6f: {  	[sflag:s22] =	ssyncset.done $0x0  }
.Ltmp0:
0x70: {  	s10 =	sadd.s32 s10, s16;
	[sflag:s22] =	ssyncadd.s32 $0xFFFFFF40;
	(pc) =	sbr.rel @p1 .LBB2_2-.Ltmp0, $4  }
0x71: {  	[tilespmem:s29], [sflag:$0x3] =	stream.linear.gather [hbm4b:s10+s3], $0xC0, $0x38;
	[tilespmem:$0x1FC00] =	vst v63  }
0x72: {  	_ =	swait.ge [sflag:s22], $0xC0  }
0x73: {  	[sflag:s22] =	ssyncset.done $0x0  }
0x74: {  	s9 =	sadd.s32 $0x180, s9;
	[sflag:s22] =	ssyncadd.s32 $0xFFFFFF40  }
0x75: {  	[tilespmem:s30], [sflag:$0x2] =	stream.indirect.gather [hbm4b:s1+s25], $0x80, s28, s25, $0xb8;
	[tilespmem:$0x1FC00] =	vst v63  }
0x76: {  	_ =	swait.ge [sflag:s31], $0x6000  }
0x77: {  	[sflag:s31] =	ssyncset.done $0x0  }
0x78: {  	[sflag:s31] =	ssyncadd.s32 $0xFFFFA000  }
0x79: {  	[spmem:s2] =	stream.indirect.scatter.add.f32 [tilespmem:s26], [sflag:$0x3], $0x80, s24, s25, $0xb8;
	[tilespmem:$0x1FC00] =	vst v63  }
0x7a: {  	_ =	swait.ge [sflag:s22], $0x6000  }
0x7b: {  	[sflag:s22] =	ssyncset.done $0x0  }
0x7c: {  	[sflag:s22] =	ssyncadd.s32 $0xFFFFA000  }
0x7d: {  	_ =	swait.ge [sflag:s0], $0x6000  }
0x7e: {  	[sflag:s0] =	ssyncset.done $0x0  }
0x7f: {  	[sflag:s0] =	ssyncadd.s32 $0xFFFFA000  }
0x80: {  	[spmem:s2] =	stream.indirect.scatter.add.f32 [tilespmem:s30], [sflag:$0x3], $0x80, s29, s25, $0xb8;
	[tilespmem:$0x1FC00] =	vst v63  }
0x81: {  	s7 =	stileid.u32;
	_ =	swait.ge [sflag:s22], $0x6000  }
0x82: {  	s9 =	sshrl.u32 s8, $0x3;
	s4 =	sadd.s32 $0x1, s4;
	[sflag:s22] =	ssyncset.done $0x0  }
0x83: {  	s7 =	sshll.u32 s7, $0x6;
	p1 =	sne.s32 s4, s14;
	[sflag:s22] =	ssyncadd.s32 $0xFFFFA000  }
.Ltmp1:
0x84: {  	s7 =	sor.u32 $0x1C03, s7;
	[bflag:$0x0] =	sbarrier.arrive $0xFFFF;
	(pc) =	sbr.rel @p1 .LBB2_1-.Ltmp1, $4  }
0x85: {  	[hbm:s15], [sflag:s7] =	dma.local [spmem:s9], $0x2710  }
0x86: {  	_ =	swait.ge [sflag:s22], $0x2710  }
0x87: {  	[sflag:s22] =	ssyncset.done $0x0  }
0x88: {  	[sflag:s22] =	ssyncadd.s32 $0xFFFFD8F0  }
0x89: {  	_ =	sfence.sel $0x180000  }
0x8a: {  	[bflag:$0x0] =	sbarrier.arrive $0xFFFF  }
0x8b: {  	_ =	strace $0x9000004A  }
0x8c: {  	s0 =	stileid.u32;
	[bflag:$0x2] =	sbarrier.arrive $0xFFFF  }
0x8d: {  	p0 =	sne.s32 s0, $0x0;
	s0 =	rddreg [dreg:$0x3]  }
0x8e: {  	s0 =	sadd.s32 @!p0 $0x100000, s0  }
0x8f: {  	[sflag:s0] =	ssyncadd.tile.s32 @!p0 $0x1;
	_ =	shalt  }
.Lfunc_end2:
_tile_overlayer_lowered:
.L_overlay_start_2:
0x90: {  	(tag) =	ssettag $0x2  }
0x91: {  	s0 =	rddreg [dreg:$0x0];
	s2 =	stileid.u32  }
0x92: {  	s1 =	rddreg [dreg:$0x1];
	p0 =	sne.s32 s2, $0x0  }
0x93: {  	s3 =	rddreg [dreg:$0x2];
	[bflag:$0x3] =	sbarrier.arrive $0xFFFF;
	s2 =	simm.s32 @!p0 $0x1C03  }
0x94: {  	[timem:s3], [sflag:s2] =	dma.local @!p0 [hbm:s0], s1  }
0x95: {  	s0 =	simm.s32 @!p0 $0x3  }
0x96: {  	_ =	swait.ge @!p0 [sflag:s0], s1  }
0x97: {  	s1 =	ssub.s32 @!p0 $0x0, s1;
	[sflag:s0] =	ssyncset.done @!p0 $0x0  }
0x98: {  	[sflag:s0] =	ssyncadd.s32 @!p0 s1  }
0x99: {  	[bflag:$0x3] =	sbarrier.arrive $0xFFFF  }
0x9a: {  	_ =	shalt  }

// kernel: kernel.15.cloned.1.call-start
scs
__scs_entry_jumppad:
0x0: {  	(pc) =	sbr.rel $0x88, $3  }
0x1: {  	(tag) =	ssettag $0x0;
	lr =	simm.s32 $0x1  }
0x2: {  	[smem:$0x3F9B] =	sst lr;
	_ =	strace $0xD0000000  }
0x3: {  	_ = 	snop  }
0x4: {  	_ = 	snop  }
0x5: {  	_ = 	snop  }
0x6: {  	_ = 	snop  }
0x7: {  	_ = 	snop  }
__scs_overlays_trampoline_lowered:
0x8: {  	[smem:$0x3FAA] =	sst s0  }
0x9: {  	[smem:$0x3FAB] =	sst s1  }
0xa: {  	[smem:$0x3FAC] =	sst s2  }
0xb: {  	[smem:$0x3FAD] =	sst s3  }
0xc: {  	[smem:$0x3FAE] =	sst s4  }
0xd: {  	[smem:$0x3FAF] =	sst s5  }
0xe: {  	[smem:$0x3FB0] =	sst s6  }
0xf: {  	[smem:$0x3FB1] =	sst s7  }
0x10: {  	[smem:$0x3FB2] =	sst s8  }
0x11: {  	[smem:$0x3FB3] =	sst s9;
	s0 =	simm.s32 @!p0 $0x0  }
0x12: {  	s1 =	sld [smem:$0x3F99];
	s0 =	simm.s32 @p0 $0x1  }
0x13: {  	[smem:$0x3FB4] =	sst s0;
	s0 =	simm.s32 @!p1 $0x0  }
0x14: {  	s2 =	sld [smem:$0x3F98];
	s0 =	simm.s32 @p1 $0x1  }
0x15: {  	[smem:$0x3FB5] =	sst s0;
	s0 =	simm.s32 @!p2 $0x0  }
0x16: {  	s3 =	sld [smem:$0x3FDB];
	s0 =	simm.s32 @p2 $0x1  }
0x17: {  	s4 =	simm.s32 $0x1BF5;
	[smem:$0x3FB7] =	sst s0  }
0x18: {  	s0 =	sld [smem:$0x3F9A];
	_ =	swait.ge [sflag:s4], $0x0  }
0x19: {  	s7 =	sld [smem:$0x3F9B]  }
0x1a: {  	s8 =	sadd.s32 $0xFFFFE003, lr  }
0x1b: {  	s9 =	sadd.s32 $0xFFFFFEF7, lr;
	s5 =	simm.s32 $0xFFFFFFFF;
	p2 =	slt.u32 s8, $0xFFFFF086  }
0x1c: {  	p1 =	slt.u32 s9, $0xF7A;
	s5 =	simm.s32 @!p2 $0x0  }
0x1d: {  	s5 =	simm.s32 @p1 $0x1;
	p0 =	seq.s32 s7, s2  }
0x1e: {  	s7 =	smul.u32 @!p0 $0xF7A, s2;
	p2 =	seq.s32 @!p0 s5, $0x0  }
0x1f: {  	s9 =	smul.u32 $0xF7A, s1;
	s8 =	simm.s32 @!p0 $0x1BF5;
	p2 =	por !p2, p0  }
0x20: {  	[sflag:s8] =	ssyncset.s32 @!p0 $0xFFFFF086;
	s6 =	sadd.s32 @!p0 s3, s7;
	s7 =	simm.s32 @!p0 $0x108  }
0x21: {  	s3 =	sadd.s32 s3, s9;
	s6 =	sadd.s32 @!p0 $0x88, s6;
	s7 =	simm.s32 @p2 $0x1082  }
0x22: {  	[simem:s7], [sflag:s8] =	dma.local @!p0 [hbm:s6], $0xF7A  }
0x23: {  	s9 =	sor.u32 $0xD0000000, s2;
	s6 =	simm.s32 $0x108;
	_ =	swait.ge @!p0 [sflag:s8], $0x0  }
0x24: {  	s3 =	sadd.s32 $0x88, s3;
	s6 =	simm.s32 @!p1 $0x1082;
	[sflag:s4] =	ssyncset.s32 $0xFFFFF086  }
0x25: {  	[simem:s6], [sflag:s4] =	dma.local [hbm:s3], $0xF7A  }
0x26: {  	[smem:$0x3F9B] =	sst s1;
	(tag) =	ssettag s2;
	_ =	strace s9  }
0x27: {  	s1 =	sld [smem:$0x3FAB]  }
0x28: {  	s2 =	sld [smem:$0x3FAC]  }
0x29: {  	s4 =	sld [smem:$0x3FAE]  }
0x2a: {  	p0 =	seq.s32 s5, $0x0;
	s5 =	sld [smem:$0x3FAF]  }
0x2b: {  	s6 =	sld [smem:$0x3FB0]  }
0x2c: {  	s7 =	sld [smem:$0x3FB1]  }
0x2d: {  	s3 =	simm.s32 $0x108;
	s8 =	sld [smem:$0x3FB2]  }
0x2e: {  	s3 =	simm.s32 @!p0 $0x1082;
	s9 =	sld [smem:$0x3FB3]  }
0x2f: {  	lr =	sadd.s32 s0, s3;
	s0 =	sld [smem:$0x3FAA]  }
0x30: {  	s3 =	sld [smem:$0x3FAD]  }
0x31: {  	[smem:$0x3FB6] =	sst s10  }
0x32: {  	s10 =	sld [smem:$0x3FB4];
	_ =	sdelay $0x3  }
0x33: {  	p0 =	seq.s32 s10, $0x1;
	s10 =	sld [smem:$0x3FB6];
	_ =	sdelay $0x3  }
0x34: {  	[smem:$0x3FB6] =	sst s10  }
0x35: {  	s10 =	sld [smem:$0x3FB5];
	_ =	sdelay $0x3  }
0x36: {  	p1 =	seq.s32 s10, $0x1;
	s10 =	sld [smem:$0x3FB6];
	_ =	sdelay $0x3  }
0x37: {  	[smem:$0x3FB6] =	sst s10  }
0x38: {  	s10 =	sld [smem:$0x3FB7]  }
0x39: {  	_ = 	snop;
	(pc) =	sbr.ind lr, $3  }
0x3a: {  	_ = 	snop  }
0x3b: {  	_ = 	snop  }
0x3c: {  	p2 =	seq.s32 s10, $0x1;
	s10 =	sld [smem:$0x3FB6]  }
0x3d: {  	_ =	shalt  }
0x3e: {  	_ =	shalt  }
0x3f: {  	_ =	shalt  }
0x40: {  	_ =	shalt  }
0x41: {  	_ =	shalt  }
0x42: {  	_ =	shalt  }
0x43: {  	_ =	shalt  }
0x44: {  	_ =	shalt  }
0x45: {  	_ =	shalt  }
0x46: {  	_ =	shalt  }
0x47: {  	_ =	shalt  }
0x48: {  	_ =	shalt  }
0x49: {  	_ =	shalt  }
0x4a: {  	_ =	shalt  }
0x4b: {  	_ =	shalt  }
0x4c: {  	_ =	shalt  }
0x4d: {  	_ =	shalt  }
0x4e: {  	_ =	shalt  }
0x4f: {  	_ =	shalt  }
0x50: {  	_ =	shalt  }
0x51: {  	_ =	shalt  }
0x52: {  	_ =	shalt  }
0x53: {  	_ =	shalt  }
0x54: {  	_ =	shalt  }
0x55: {  	_ =	shalt  }
0x56: {  	_ =	shalt  }
0x57: {  	_ =	shalt  }
0x58: {  	_ =	shalt  }
0x59: {  	_ =	shalt  }
0x5a: {  	_ =	shalt  }
0x5b: {  	_ =	shalt  }
0x5c: {  	_ =	shalt  }
0x5d: {  	_ =	shalt  }
0x5e: {  	_ =	shalt  }
0x5f: {  	_ =	shalt  }
0x60: {  	_ =	shalt  }
0x61: {  	_ =	shalt  }
0x62: {  	_ =	shalt  }
0x63: {  	_ =	shalt  }
0x64: {  	_ =	shalt  }
0x65: {  	_ =	shalt  }
0x66: {  	_ =	shalt  }
0x67: {  	_ =	shalt  }
0x68: {  	_ =	shalt  }
0x69: {  	_ =	shalt  }
0x6a: {  	_ =	shalt  }
0x6b: {  	_ =	shalt  }
0x6c: {  	_ =	shalt  }
0x6d: {  	_ =	shalt  }
0x6e: {  	_ =	shalt  }
0x6f: {  	_ =	shalt  }
0x70: {  	_ =	shalt  }
0x71: {  	_ =	shalt  }
0x72: {  	_ =	shalt  }
0x73: {  	_ =	shalt  }
0x74: {  	_ =	shalt  }
0x75: {  	_ =	shalt  }
0x76: {  	_ =	shalt  }
0x77: {  	_ =	shalt  }
0x78: {  	_ =	shalt  }
0x79: {  	_ =	shalt  }
0x7a: {  	_ =	shalt  }
0x7b: {  	_ =	shalt  }
0x7c: {  	_ =	shalt  }
0x7d: {  	_ =	shalt  }
0x7e: {  	_ =	shalt  }
0x7f: {  	_ =	shalt  }
0x80: {  	_ =	shalt  }
0x81: {  	_ =	shalt  }
0x82: {  	_ =	shalt  }
0x83: {  	_ =	shalt  }
0x84: {  	_ =	shalt  }
0x85: {  	_ =	shalt  }
0x86: {  	_ =	shalt  }
0x87: {  	_ =	shalt  }
.Lfunc_end0:
.L_simem_size_0:
called_computation.2_lowered:
.L_overlay_start_0:
0x88: {  	s2 =	sld [smem:$0x3FD9]  }
0x89: {  	s3 =	sld [smem:$0x3FFE];
	_ =	sdelay $0x1  }
0x8a: {  	s1 =	srdreg.scid  }
0x8b: {  	s0 =	sand.u32 $0x1, s1  }
0x8c: {  	s17 =	sshll.u32 s0, $0xA;
	s2 =	sadd.s32 s3, s2  }
0x8d: {  	s2 =	sadd.s32 s2, s17  }
0x8e: {  	[smem:$0x3FC2] =	sst s2  }
0x8f: {  	_ = 	snop  }
0x90: {  	s2 =	sld [smem:$0x3FD0];
	(tm) =	ssettm $0x1  }
0x91: {  	s18 =	sld [smem:$0x3FFB];
	_ =	sdelay $0x3  }
0x92: {  	_ =	strace s18  }
0x93: {  	s3 =	sld [smem:$0x3FFC];
	_ =	sdelay $0x3  }
0x94: {  	_ =	strace s3  }
0x95: {  	s3 =	sld [smem:$0x3FFD];
	_ =	sdelay $0x3  }
0x96: {  	_ =	strace s3  }
0x97: {  	_ =	strace $0x8FFFFFFF  }
0x98: {  	s19 =	sld [smem:$0x3FDB];
	_ =	sdelay $0x1  }
0x99: {  	s4 =	simm.s32 $_scs_section_size  }
0x9a: {  	s5 =	simm.s32 $_size__tile_overlayer_lowered;
	s6 =	simm.s32 $_tile_overlayer_lowered  }
0x9b: {  	s22 =	simm.s32 $0x1BFF;
	s21 =	sshll.u32 s6, $0x1;
	s3 =	sadd.s32 s4, s19  }
0x9c: {  	s7 =	simm.s32 $0x0;
	s20 =	sshll.u32 s5, $0x1;
	s5 =	sadd.s32 s21, s3  }
0x9d: {  	[timem:s7], [sflag:s22] =	dma.local [hbm:s5], s20  }
0x9e: {  	_ =	swait.ge [sflag:s22], s20  }
0x9f: {  	s4 =	ssub.s32 $0x0, s20;
	[sflag:s22] =	ssyncset.done $0x0  }
0xa0: {  	[sflag:s22] =	ssyncadd.s32 s4;
	_ =	sdelay $0x1  }
0xa1: {  	s23 =	simm.s32 $0x1B8B  }
0xa2: {  	_ =	swait.ge [sflag:s23], $0x1  }
0xa3: {  	[sflag:s23] =	ssyncset.done $0x0  }
0xa4: {  	s25 =	simm.s32 $0x1B8E;
	s24 =	sld [smem:$0x3FFE];
	[sflag:s23] =	ssyncadd.s32 $0xFFFFFFFF  }
0xa5: {  	s26 =	simm.s32 $execute0_lowered;
	[smem:$0x3FD2] =	sst s25  }
0xa6: {  	s5 =	sshll.u32 s26, $0x1;
	_ =	strace $0x8000004C;
	[dreg:$0x1] =	wrdreg $0xFFFFFFFF  }
0xa7: {  	s28 =	simm.s32 $_size_execute0_lowered;
	s3 =	sadd.s32 s3, s5;
	[dreg:$0x0] =	wrdreg $0x0  }
0xa8: {  	s5 =	sshll.u32 s28, $0x1;
	[dreg:$0x2] =	wrdreg s3  }
0xa9: {  	[dreg:$0x3] =	wrdreg s5  }
0xaa: {  	[dreg:$0x4] =	wrdreg $0xC0  }
0xab: {  	_ =	task [dreg:s7], $0x5FFFF  }
0xac: {  	[dreg:$0x1] =	wrdreg $0xFFFFFFFF  }
0xad: {  	[dreg:$0x0] =	wrdreg $0x60  }
0xae: {  	[dreg:$0x2] =	wrdreg s2  }
0xaf: {  	[dreg:$0x3] =	wrdreg s24  }
0xb0: {  	[dreg:$0x4] =	wrdreg $0x0  }
0xb1: {  	[dreg:$0x5] =	wrdreg $0x9  }
0xb2: {  	_ =	task.clear_ibuf [dreg:s7], $0x6FFFF;
	_ =	strace $0x9000004C  }
0xb3: {  	s29 =	simm.s32 $0x9;
	_ =	strace $0x8000004E  }
0xb4: {  	_ =	swait.ge [sflag:s29], $0x1  }
0xb5: {  	[sflag:s29] =	ssyncadd.s32 $0xFFFFFFFF  }
0xb6: {  	_ =	strace $0x9000004E  }
0xb7: {  	_ =	sfence  }
0xb8: {  	s30 =	sld [smem:$0x0];
	_ =	sdelay $0x2  }
0xb9: {  	s31 =	sshll.u32 s1, $0xD;
	s1 =	sshrl.u32 s1, $0x2  }
0xba: {  	s3 =	sand.u32 $0x4000, s31;
	s1 =	sadd.s32 s1, s30  }
0xbb: {  	s0 =	sor.u32 s3, s0;
	s1 =	sshll.u32 s1, $0x11  }
0xbc: {  	s0 =	sor.u32 s1, s0  }
0xbd: {  	s0 =	sadd.s32 $0x8F2B, s0  }
0xbe: {  	[sflag:s0] =	ssyncadd.remote.s32 $0x1  }
0xbf: {  	_ =	sfence.sel $0xFFFF  }
0xc0: {  	[dreg:$0x0] =	wrdreg $0xFFFFFFFF;
	(pc) =	sbr.abs _section_cstart, $3  }
0xc1: {  	[dreg:$0x1] =	wrdreg $0xFFFFFFFF  }
0xc2: {  	_ =	task.clear_ibuf [dreg:s7], $0x2FFFF;
	_ =	strace $0x9FFFFFFF  }
0xc3: {  	(tm) =	ssettm $0x7FFFFFFF  }
tec
execute0_lowered:
.L_overlay_start_1:
0x0: {  	(tag) =	ssettag $0x1  }
0x1: {  	s1 =	rddreg [dreg:$0x0]  }
0x2: {  	s0 =	rddreg [dreg:$0x1]  }
0x3: {  	s2 =	rddreg [dreg:$0x2];
	s3 =	simm.s32 $0x0  }
0x4: {  	s4 =	srdreg.scid;
	s21 =	stileid.u32;
	s17 =	simm.s32 $0x44600  }
0x5: {  	s28 =	simm.s32 $0x13A80;
	s29 =	simm.s32 $0x13B40;
	s30 =	simm.s32 $0x19C00  }
0x6: {  	s31 =	simm.s32 $0x1;
	[smem:$0x7FF] =	sst s3;
	s9 =	smul.u32 $0x4E200, s21  }
0x7: {  	s4 =	sand.u32 $0x1, s4;
	s5 =	sadd.s32 $0x13200, s0;
	s20 =	smul.u32 $0x13880, s21  }
0x8: {  	s6 =	sadd.s32 $0x3800, s0;
	s10 =	sadd.s32 $0xDA00, s0;
	s14 =	smul.u32 $0x2880, s21  }
0x9: {  	_ =	strace $0x8000004D;
	s7 =	ssub.s32 $0x2, s4;
	[dreg:$0x4] =	wrdreg s10  }
0xa: {  	s19 =	sshll.u32 s4, $0x4;
	p0 =	seq.s32 s4, $0x0;
	s13 =	smul.u32 $0x28800, s4  }
0xb: {  	s8 =	sshrl.u32 s7, $0x1;
	s9 =	sshrl.u32 s9, $0x2;
	s15 =	sshrl.u32 s20, $0x3  }
0xc: {  	s17 =	simm.s32 @!p0 $0x6B800;
	p0 =	sne.s32 s4, $0x0;
	s4 =	simm.s32 $0x0  }
0xd: {  	s7 =	ssub.s32 s7, s8;
	s8 =	sor.u32 s21, s19;
	s9 =	sadd.s32 s9, s2  }
0xe: {  	s10 =	sadd.s32 s1, s15;
	s18 =	sadd.s32 s14, s13;
	s0 =	sadd.s32 s17, s0  }
0xf: {  	s11 =	smul.u32 $0x2880, s8;
	s8 =	sadd.s32 s20, s2;
	[dreg:$0x5] =	wrdreg s10  }
0x10: {  	s25 =	sadd.s32 $0x240, s18;
	s14 =	smax.u32 s7, $0x1;
	s15 =	sadd.s32 s0, s15  }
0x11: {  	s18 =	sadd.s32 $0x180, s18;
	s0 =	sshll.u32 @p0 s21, $0x6;
	s20 =	sshrl.u32 @p0 s9, $0x3  }
0x12: {  	s26 =	sshrl.u32 s25, $0x3;
	s19 =	sor.u32 @p0 $0x1C03, s0;
	s0 =	sshll.u32 @!p0 s21, $0x6  }
0x13: {  	s25 =	simm.s32 $0xC0;
	s12 =	sshrl.u32 s11, $0x3;
	s17 =	sadd.s32 s26, s5  }
0x14: {  	s21 =	sor.u32 @!p0 $0x1C03, s0;
	s0 =	simm.s32 $0x2;
	s22 =	sadd.s32 s5, s12  }
0x15: {  	s23 =	sadd.s32 s6, s12;
	s16 =	sadd.s32 $0x18, s12;
	[dreg:$0x6] =	wrdreg s22  }
0x16: {  	[dreg:$0x7] =	wrdreg s23;
	s24 =	sadd.s32 s5, s16;
	s13 =	sadd.s32 s6, s16  }
0x17: {  	s16 =	sadd.s32 s26, s6;
	s22 =	simm.s32 $0x3;
	s23 =	simm.s32 $0x13900  }
0x18: {  	s26 =	simm.s32 $0x13C00;
	[dreg:$0x8] =	wrdreg s24;
	s24 =	simm.s32 $0x139C0  }
.LBB2_1:
0x19: {  	s7 =	rddreg [dreg:$0x4]  }
0x1a: {  	[spmem:s20], [sflag:s19] =	dma.local @p0 [hbm:s7], $0x2710  }
0x1b: {  	s7 =	sshrl.u32 @!p0 s8, $0x3;
	s9 =	rddreg [dreg:$0x5]  }
0x1c: {  	[spmem:s7], [sflag:s21] =	dma.local @!p0 [hbm:s9], $0x2710  }
0x1d: {  	_ =	swait.ge [sflag:s22], $0x2710  }
0x1e: {  	[sflag:s22] =	ssyncset.done $0x0  }
0x1f: {  	[sflag:s22] =	ssyncadd.s32 $0xFFFFD8F0  }
0x20: {  	[bflag:$0x0] =	sbarrier.arrive $0xFFFF  }
0x21: {  	s9 =	rddreg [dreg:$0x6]  }
0x22: {  	[tilespmem:s23], [sflag:$0x3] =	stream.linear.gather [hbm4b:s9+s3], $0xC0, $0x38;
	[tilespmem:$0x1FC00] =	vst v63  }
0x23: {  	_ =	swait.ge [sflag:s22], $0xC0  }
0x24: {  	[sflag:s22] =	ssyncset.done $0x0  }
0x25: {  	s10 =	rddreg [dreg:$0x7];
	[sflag:s22] =	ssyncadd.s32 $0xFFFFFF40  }
0x26: {  	[tilespmem:s24], [sflag:$0x3] =	stream.linear.gather [hbm4b:s10+s3], $0xC0, $0x38;
	[tilespmem:$0x1FC00] =	vst v63  }
0x27: {  	_ =	swait.ge [sflag:s22], $0xC0  }
0x28: {  	[sflag:s22] =	ssyncset.done $0x0  }
0x29: {  	[sflag:s22] =	ssyncadd.s32 $0xFFFFFF40  }
0x2a: {  	[tilespmem:s26], [sflag:$0x1] =	stream.indirect.gather [hbm4b:s1+s25], $0x80, s23, s25, $0xb8;
	[tilespmem:$0x1FC00] =	vst v63  }
0x2b: {  	s11 =	rddreg [dreg:$0x8]  }
0x2c: {  	[tilespmem:s28], [sflag:$0x3] =	stream.linear.gather [hbm4b:s11+s3], $0xC0, $0x38;
	[tilespmem:$0x1FC00] =	vst v63  }
0x2d: {  	_ =	swait.ge [sflag:s22], $0xC0  }
0x2e: {  	[sflag:s22] =	ssyncset.done $0x0  }
0x2f: {  	[sflag:s22] =	ssyncadd.s32 $0xFFFFFF40  }
0x30: {  	[tilespmem:s29], [sflag:$0x3] =	stream.linear.gather [hbm4b:s13+s3], $0xC0, $0x38;
	[tilespmem:$0x1FC00] =	vst v63  }
0x31: {  	_ =	swait.ge [sflag:s22], $0xC0  }
0x32: {  	[sflag:s22] =	ssyncset.done $0x0  }
0x33: {  	[sflag:s22] =	ssyncadd.s32 $0xFFFFFF40  }
0x34: {  	[tilespmem:s30], [sflag:$0x2] =	stream.indirect.gather [hbm4b:s1+s25], $0x80, s28, s25, $0xb8;
	[tilespmem:$0x1FC00] =	vst v63  }
0x35: {  	_ =	swait.ge [sflag:s31], $0x6000  }
0x36: {  	[sflag:s31] =	ssyncset.done $0x0  }
0x37: {  	[sflag:s31] =	ssyncadd.s32 $0xFFFFA000  }
0x38: {  	[spmem:s2] =	stream.indirect.scatter.add.f32 [tilespmem:s26], [sflag:$0x3], $0x80, s24, s25, $0xb8;
	[tilespmem:$0x1FC00] =	vst v63  }
0x39: {  	_ =	swait.ge [sflag:s22], $0x6000  }
0x3a: {  	s12 =	sshrl.u32 s18, $0x3;
	[sflag:s22] =	ssyncset.done $0x0  }
0x3b: {  	s10 =	sadd.s32 s5, s12;
	[sflag:s22] =	ssyncadd.s32 $0xFFFFA000  }
0x3c: {  	[tilespmem:s23], [sflag:$0x3] =	stream.linear.gather [hbm4b:s10+s3], $0xC0, $0x38;
	[tilespmem:$0x1FC00] =	vst v63  }
0x3d: {  	_ =	swait.ge [sflag:s22], $0xC0  }
0x3e: {  	[sflag:s22] =	ssyncset.done $0x0  }
0x3f: {  	s7 =	sadd.s32 s6, s12;
	[sflag:s22] =	ssyncadd.s32 $0xFFFFFF40  }
0x40: {  	[tilespmem:s24], [sflag:$0x3] =	stream.linear.gather [hbm4b:s7+s3], $0xC0, $0x38;
	[tilespmem:$0x1FC00] =	vst v63  }
0x41: {  	_ =	swait.ge [sflag:s22], $0xC0  }
0x42: {  	[sflag:s22] =	ssyncset.done $0x0  }
0x43: {  	[sflag:s22] =	ssyncadd.s32 $0xFFFFFF40  }
0x44: {  	[tilespmem:s26], [sflag:$0x1] =	stream.indirect.gather [hbm4b:s1+s25], $0x80, s23, s25, $0xb8;
	[tilespmem:$0x1FC00] =	vst v63  }
0x45: {  	_ =	swait.ge [sflag:s0], $0x6000  }
0x46: {  	[sflag:s0] =	ssyncset.done $0x0  }
0x47: {  	[sflag:s0] =	ssyncadd.s32 $0xFFFFA000  }
0x48: {  	[spmem:s2] =	stream.indirect.scatter.add.f32 [tilespmem:s30], [sflag:$0x3], $0x80, s29, s25, $0xb8;
	[tilespmem:$0x1FC00] =	vst v63  }
0x49: {  	_ =	swait.ge [sflag:s22], $0x6000  }
0x4a: {  	[sflag:s22] =	ssyncset.done $0x0  }
0x4b: {  	s11 =	sadd.s32 $0x0, s17;
	[sflag:s22] =	ssyncadd.s32 $0xFFFFA000  }
0x4c: {  	[tilespmem:s28], [sflag:$0x3] =	stream.linear.gather [hbm4b:s11+s3], $0xC0, $0x38;
	[tilespmem:$0x1FC00] =	vst v63  }
0x4d: {  	_ =	swait.ge [sflag:s22], $0xC0  }
0x4e: {  	[sflag:s22] =	ssyncset.done $0x0  }
0x4f: {  	s12 =	sadd.s32 $0x0, s16;
	[sflag:s22] =	ssyncadd.s32 $0xFFFFFF40  }
0x50: {  	[tilespmem:s29], [sflag:$0x3] =	stream.linear.gather [hbm4b:s12+s3], $0xC0, $0x38;
	[tilespmem:$0x1FC00] =	vst v63  }
0x51: {  	_ =	swait.ge [sflag:s22], $0xC0  }
0x52: {  	[sflag:s22] =	ssyncset.done $0x0  }
0x53: {  	s9 =	sadd.s32 $0x180, s18;
	s7 =	simm.s32 $0x30;
	[sflag:s22] =	ssyncadd.s32 $0xFFFFFF40  }
.LBB2_2:
0x54: {  	[tilespmem:s30], [sflag:$0x2] =	stream.indirect.gather [hbm4b:s1+s25], $0x80, s28, s25, $0xb8;
	[tilespmem:$0x1FC00] =	vst v63  }
0x55: {  	s10 =	smov.u32 s7  }
0x56: {  	p1 =	sne.s32 s7, $0x4B0;
	s7 =	sadd.s32 $0x30, s7;
	_ =	swait.ge [sflag:s31], $0x6000  }
0x57: {  	[sflag:s31] =	ssyncset.done $0x0  }
0x58: {  	[sflag:s31] =	ssyncadd.s32 $0xFFFFA000  }
0x59: {  	[spmem:s2] =	stream.indirect.scatter.add.f32 [tilespmem:s26], [sflag:$0x3], $0x80, s24, s25, $0xb8;
	[tilespmem:$0x1FC00] =	vst v63  }
0x5a: {  	_ =	swait.ge [sflag:s22], $0x6000  }
0x5b: {  	s11 =	sshrl.u32 s9, $0x3;
	[sflag:s22] =	ssyncset.done $0x0  }
0x5c: {  	s12 =	sadd.s32 s5, s11;
	[sflag:s22] =	ssyncadd.s32 $0xFFFFA000  }
0x5d: {  	[tilespmem:s23], [sflag:$0x3] =	stream.linear.gather [hbm4b:s12+s3], $0xC0, $0x38;
	[tilespmem:$0x1FC00] =	vst v63  }
0x5e: {  	_ =	swait.ge [sflag:s22], $0xC0  }
0x5f: {  	[sflag:s22] =	ssyncset.done $0x0  }
0x60: {  	s11 =	sadd.s32 s6, s11;
	[sflag:s22] =	ssyncadd.s32 $0xFFFFFF40  }
0x61: {  	[tilespmem:s24], [sflag:$0x3] =	stream.linear.gather [hbm4b:s11+s3], $0xC0, $0x38;
	[tilespmem:$0x1FC00] =	vst v63  }
0x62: {  	_ =	swait.ge [sflag:s22], $0xC0  }
0x63: {  	[sflag:s22] =	ssyncset.done $0x0  }
0x64: {  	[sflag:s22] =	ssyncadd.s32 $0xFFFFFF40  }
0x65: {  	[tilespmem:s26], [sflag:$0x1] =	stream.indirect.gather [hbm4b:s1+s25], $0x80, s23, s25, $0xb8;
	[tilespmem:$0x1FC00] =	vst v63  }
0x66: {  	_ =	swait.ge [sflag:s0], $0x6000  }
0x67: {  	[sflag:s0] =	ssyncset.done $0x0  }
0x68: {  	[sflag:s0] =	ssyncadd.s32 $0xFFFFA000  }
0x69: {  	[spmem:s2] =	stream.indirect.scatter.add.f32 [tilespmem:s30], [sflag:$0x3], $0x80, s29, s25, $0xb8;
	[tilespmem:$0x1FC00] =	vst v63  }
0x6a: {  	_ =	swait.ge [sflag:s22], $0x6000  }
0x6b: {  	[sflag:s22] =	ssyncset.done $0x0  }
0x6c: {  	s11 =	sadd.s32 s10, s17;
	[sflag:s22] =	ssyncadd.s32 $0xFFFFA000  }
0x6d: {  	[tilespmem:s28], [sflag:$0x3] =	stream.linear.gather [hbm4b:s11+s3], $0xC0, $0x38;
	[tilespmem:$0x1FC00] =	vst v63  }
0x6e: {  	_ =	swait.ge [sflag:s22], $0xC0  }
0x6f: {  	[sflag:s22] =	ssyncset.done $0x0  }
.Ltmp0:
0x70: {  	s10 =	sadd.s32 s10, s16;
	[sflag:s22] =	ssyncadd.s32 $0xFFFFFF40;
	(pc) =	sbr.rel @p1 .LBB2_2-.Ltmp0, $4  }
0x71: {  	[tilespmem:s29], [sflag:$0x3] =	stream.linear.gather [hbm4b:s10+s3], $0xC0, $0x38;
	[tilespmem:$0x1FC00] =	vst v63  }
0x72: {  	_ =	swait.ge [sflag:s22], $0xC0  }
0x73: {  	[sflag:s22] =	ssyncset.done $0x0  }
0x74: {  	s9 =	sadd.s32 $0x180, s9;
	[sflag:s22] =	ssyncadd.s32 $0xFFFFFF40  }
0x75: {  	[tilespmem:s30], [sflag:$0x2] =	stream.indirect.gather [hbm4b:s1+s25], $0x80, s28, s25, $0xb8;
	[tilespmem:$0x1FC00] =	vst v63  }
0x76: {  	_ =	swait.ge [sflag:s31], $0x6000  }
0x77: {  	[sflag:s31] =	ssyncset.done $0x0  }
0x78: {  	[sflag:s31] =	ssyncadd.s32 $0xFFFFA000  }
0x79: {  	[spmem:s2] =	stream.indirect.scatter.add.f32 [tilespmem:s26], [sflag:$0x3], $0x80, s24, s25, $0xb8;
	[tilespmem:$0x1FC00] =	vst v63  }
0x7a: {  	_ =	swait.ge [sflag:s22], $0x6000  }
0x7b: {  	[sflag:s22] =	ssyncset.done $0x0  }
0x7c: {  	[sflag:s22] =	ssyncadd.s32 $0xFFFFA000  }
0x7d: {  	_ =	swait.ge [sflag:s0], $0x6000  }
0x7e: {  	[sflag:s0] =	ssyncset.done $0x0  }
0x7f: {  	[sflag:s0] =	ssyncadd.s32 $0xFFFFA000  }
0x80: {  	[spmem:s2] =	stream.indirect.scatter.add.f32 [tilespmem:s30], [sflag:$0x3], $0x80, s29, s25, $0xb8;
	[tilespmem:$0x1FC00] =	vst v63  }
0x81: {  	s7 =	stileid.u32;
	_ =	swait.ge [sflag:s22], $0x6000  }
0x82: {  	s9 =	sshrl.u32 s8, $0x3;
	s4 =	sadd.s32 $0x1, s4;
	[sflag:s22] =	ssyncset.done $0x0  }
0x83: {  	s7 =	sshll.u32 s7, $0x6;
	p1 =	sne.s32 s4, s14;
	[sflag:s22] =	ssyncadd.s32 $0xFFFFA000  }
.Ltmp1:
0x84: {  	s7 =	sor.u32 $0x1C03, s7;
	[bflag:$0x0] =	sbarrier.arrive $0xFFFF;
	(pc) =	sbr.rel @p1 .LBB2_1-.Ltmp1, $4  }
0x85: {  	[hbm:s15], [sflag:s7] =	dma.local [spmem:s9], $0x2710  }
0x86: {  	_ =	swait.ge [sflag:s22], $0x2710  }
0x87: {  	[sflag:s22] =	ssyncset.done $0x0  }
0x88: {  	[sflag:s22] =	ssyncadd.s32 $0xFFFFD8F0  }
0x89: {  	_ =	sfence.sel $0x180000  }
0x8a: {  	[bflag:$0x0] =	sbarrier.arrive $0xFFFF  }
0x8b: {  	_ =	strace $0x9000004D  }
0x8c: {  	s0 =	stileid.u32;
	[bflag:$0x2] =	sbarrier.arrive $0xFFFF  }
0x8d: {  	p0 =	sne.s32 s0, $0x0;
	s0 =	rddreg [dreg:$0x3]  }
0x8e: {  	s0 =	sadd.s32 @!p0 $0x100000, s0  }
0x8f: {  	[sflag:s0] =	ssyncadd.tile.s32 @!p0 $0x1;
	_ =	shalt  }
.Lfunc_end2:
_tile_overlayer_lowered:
.L_overlay_start_2:
0x90: {  	(tag) =	ssettag $0x2  }
0x91: {  	s0 =	rddreg [dreg:$0x0];
	s2 =	stileid.u32  }
0x92: {  	s1 =	rddreg [dreg:$0x1];
	p0 =	sne.s32 s2, $0x0  }
0x93: {  	s3 =	rddreg [dreg:$0x2];
	[bflag:$0x3] =	sbarrier.arrive $0xFFFF;
	s2 =	simm.s32 @!p0 $0x1C03  }
0x94: {  	[timem:s3], [sflag:s2] =	dma.local @!p0 [hbm:s0], s1  }
0x95: {  	s0 =	simm.s32 @!p0 $0x3  }
0x96: {  	_ =	swait.ge @!p0 [sflag:s0], s1  }
0x97: {  	s1 =	ssub.s32 @!p0 $0x0, s1;
	[sflag:s0] =	ssyncset.done @!p0 $0x0  }
0x98: {  	[sflag:s0] =	ssyncadd.s32 @!p0 s1  }
0x99: {  	[bflag:$0x3] =	sbarrier.arrive $0xFFFF  }
0x9a: {  	_ =	shalt  }

// kernel: kernel.9.cloned.1.call-start
scs
__scs_entry_jumppad:
0x0: {  	(pc) =	sbr.rel $0x88, $3  }
0x1: {  	(tag) =	ssettag $0x0;
	lr =	simm.s32 $0x1  }
0x2: {  	[smem:$0x3F9B] =	sst lr;
	_ =	strace $0xD0000000  }
0x3: {  	_ = 	snop  }
0x4: {  	_ = 	snop  }
0x5: {  	_ = 	snop  }
0x6: {  	_ = 	snop  }
0x7: {  	_ = 	snop  }
__scs_overlays_trampoline_lowered:
0x8: {  	[smem:$0x3FAA] =	sst s0  }
0x9: {  	[smem:$0x3FAB] =	sst s1  }
0xa: {  	[smem:$0x3FAC] =	sst s2  }
0xb: {  	[smem:$0x3FAD] =	sst s3  }
0xc: {  	[smem:$0x3FAE] =	sst s4  }
0xd: {  	[smem:$0x3FAF] =	sst s5  }
0xe: {  	[smem:$0x3FB0] =	sst s6  }
0xf: {  	[smem:$0x3FB1] =	sst s7  }
0x10: {  	[smem:$0x3FB2] =	sst s8  }
0x11: {  	[smem:$0x3FB3] =	sst s9;
	s0 =	simm.s32 @!p0 $0x0  }
0x12: {  	s1 =	sld [smem:$0x3F99];
	s0 =	simm.s32 @p0 $0x1  }
0x13: {  	[smem:$0x3FB4] =	sst s0;
	s0 =	simm.s32 @!p1 $0x0  }
0x14: {  	s2 =	sld [smem:$0x3F98];
	s0 =	simm.s32 @p1 $0x1  }
0x15: {  	[smem:$0x3FB5] =	sst s0;
	s0 =	simm.s32 @!p2 $0x0  }
0x16: {  	s3 =	sld [smem:$0x3FDB];
	s0 =	simm.s32 @p2 $0x1  }
0x17: {  	s4 =	simm.s32 $0x1BF5;
	[smem:$0x3FB7] =	sst s0  }
0x18: {  	s0 =	sld [smem:$0x3F9A];
	_ =	swait.ge [sflag:s4], $0x0  }
0x19: {  	s7 =	sld [smem:$0x3F9B]  }
0x1a: {  	s8 =	sadd.s32 $0xFFFFE003, lr  }
0x1b: {  	s9 =	sadd.s32 $0xFFFFFEF7, lr;
	s5 =	simm.s32 $0xFFFFFFFF;
	p2 =	slt.u32 s8, $0xFFFFF086  }
0x1c: {  	p1 =	slt.u32 s9, $0xF7A;
	s5 =	simm.s32 @!p2 $0x0  }
0x1d: {  	s5 =	simm.s32 @p1 $0x1;
	p0 =	seq.s32 s7, s2  }
0x1e: {  	s7 =	smul.u32 @!p0 $0xF7A, s2;
	p2 =	seq.s32 @!p0 s5, $0x0  }
0x1f: {  	s9 =	smul.u32 $0xF7A, s1;
	s8 =	simm.s32 @!p0 $0x1BF5;
	p2 =	por !p2, p0  }
0x20: {  	[sflag:s8] =	ssyncset.s32 @!p0 $0xFFFFF086;
	s6 =	sadd.s32 @!p0 s3, s7;
	s7 =	simm.s32 @!p0 $0x108  }
0x21: {  	s3 =	sadd.s32 s3, s9;
	s6 =	sadd.s32 @!p0 $0x88, s6;
	s7 =	simm.s32 @p2 $0x1082  }
0x22: {  	[simem:s7], [sflag:s8] =	dma.local @!p0 [hbm:s6], $0xF7A  }
0x23: {  	s9 =	sor.u32 $0xD0000000, s2;
	s6 =	simm.s32 $0x108;
	_ =	swait.ge @!p0 [sflag:s8], $0x0  }
0x24: {  	s3 =	sadd.s32 $0x88, s3;
	s6 =	simm.s32 @!p1 $0x1082;
	[sflag:s4] =	ssyncset.s32 $0xFFFFF086  }
0x25: {  	[simem:s6], [sflag:s4] =	dma.local [hbm:s3], $0xF7A  }
0x26: {  	[smem:$0x3F9B] =	sst s1;
	(tag) =	ssettag s2;
	_ =	strace s9  }
0x27: {  	s1 =	sld [smem:$0x3FAB]  }
0x28: {  	s2 =	sld [smem:$0x3FAC]  }
0x29: {  	s4 =	sld [smem:$0x3FAE]  }
0x2a: {  	p0 =	seq.s32 s5, $0x0;
	s5 =	sld [smem:$0x3FAF]  }
0x2b: {  	s6 =	sld [smem:$0x3FB0]  }
0x2c: {  	s7 =	sld [smem:$0x3FB1]  }
0x2d: {  	s3 =	simm.s32 $0x108;
	s8 =	sld [smem:$0x3FB2]  }
0x2e: {  	s3 =	simm.s32 @!p0 $0x1082;
	s9 =	sld [smem:$0x3FB3]  }
0x2f: {  	lr =	sadd.s32 s0, s3;
	s0 =	sld [smem:$0x3FAA]  }
0x30: {  	s3 =	sld [smem:$0x3FAD]  }
0x31: {  	[smem:$0x3FB6] =	sst s10  }
0x32: {  	s10 =	sld [smem:$0x3FB4];
	_ =	sdelay $0x3  }
0x33: {  	p0 =	seq.s32 s10, $0x1;
	s10 =	sld [smem:$0x3FB6];
	_ =	sdelay $0x3  }
0x34: {  	[smem:$0x3FB6] =	sst s10  }
0x35: {  	s10 =	sld [smem:$0x3FB5];
	_ =	sdelay $0x3  }
0x36: {  	p1 =	seq.s32 s10, $0x1;
	s10 =	sld [smem:$0x3FB6];
	_ =	sdelay $0x3  }
0x37: {  	[smem:$0x3FB6] =	sst s10  }
0x38: {  	s10 =	sld [smem:$0x3FB7]  }
0x39: {  	_ = 	snop;
	(pc) =	sbr.ind lr, $3  }
0x3a: {  	_ = 	snop  }
0x3b: {  	_ = 	snop  }
0x3c: {  	p2 =	seq.s32 s10, $0x1;
	s10 =	sld [smem:$0x3FB6]  }
0x3d: {  	_ =	shalt  }
0x3e: {  	_ =	shalt  }
0x3f: {  	_ =	shalt  }
0x40: {  	_ =	shalt  }
0x41: {  	_ =	shalt  }
0x42: {  	_ =	shalt  }
0x43: {  	_ =	shalt  }
0x44: {  	_ =	shalt  }
0x45: {  	_ =	shalt  }
0x46: {  	_ =	shalt  }
0x47: {  	_ =	shalt  }
0x48: {  	_ =	shalt  }
0x49: {  	_ =	shalt  }
0x4a: {  	_ =	shalt  }
0x4b: {  	_ =	shalt  }
0x4c: {  	_ =	shalt  }
0x4d: {  	_ =	shalt  }
0x4e: {  	_ =	shalt  }
0x4f: {  	_ =	shalt  }
0x50: {  	_ =	shalt  }
0x51: {  	_ =	shalt  }
0x52: {  	_ =	shalt  }
0x53: {  	_ =	shalt  }
0x54: {  	_ =	shalt  }
0x55: {  	_ =	shalt  }
0x56: {  	_ =	shalt  }
0x57: {  	_ =	shalt  }
0x58: {  	_ =	shalt  }
0x59: {  	_ =	shalt  }
0x5a: {  	_ =	shalt  }
0x5b: {  	_ =	shalt  }
0x5c: {  	_ =	shalt  }
0x5d: {  	_ =	shalt  }
0x5e: {  	_ =	shalt  }
0x5f: {  	_ =	shalt  }
0x60: {  	_ =	shalt  }
0x61: {  	_ =	shalt  }
0x62: {  	_ =	shalt  }
0x63: {  	_ =	shalt  }
0x64: {  	_ =	shalt  }
0x65: {  	_ =	shalt  }
0x66: {  	_ =	shalt  }
0x67: {  	_ =	shalt  }
0x68: {  	_ =	shalt  }
0x69: {  	_ =	shalt  }
0x6a: {  	_ =	shalt  }
0x6b: {  	_ =	shalt  }
0x6c: {  	_ =	shalt  }
0x6d: {  	_ =	shalt  }
0x6e: {  	_ =	shalt  }
0x6f: {  	_ =	shalt  }
0x70: {  	_ =	shalt  }
0x71: {  	_ =	shalt  }
0x72: {  	_ =	shalt  }
0x73: {  	_ =	shalt  }
0x74: {  	_ =	shalt  }
0x75: {  	_ =	shalt  }
0x76: {  	_ =	shalt  }
0x77: {  	_ =	shalt  }
0x78: {  	_ =	shalt  }
0x79: {  	_ =	shalt  }
0x7a: {  	_ =	shalt  }
0x7b: {  	_ =	shalt  }
0x7c: {  	_ =	shalt  }
0x7d: {  	_ =	shalt  }
0x7e: {  	_ =	shalt  }
0x7f: {  	_ =	shalt  }
0x80: {  	_ =	shalt  }
0x81: {  	_ =	shalt  }
0x82: {  	_ =	shalt  }
0x83: {  	_ =	shalt  }
0x84: {  	_ =	shalt  }
0x85: {  	_ =	shalt  }
0x86: {  	_ =	shalt  }
0x87: {  	_ =	shalt  }
.Lfunc_end0:
.L_simem_size_0:
called_computation_lowered:
.L_overlay_start_0:
0x88: {  	s2 =	sld [smem:$0x3FD9]  }
0x89: {  	s3 =	sld [smem:$0x3FFE];
	_ =	sdelay $0x1  }
0x8a: {  	s1 =	srdreg.scid  }
0x8b: {  	s0 =	sand.u32 $0x1, s1  }
0x8c: {  	s17 =	sshll.u32 s0, $0xA;
	s2 =	sadd.s32 s3, s2  }
0x8d: {  	s2 =	sadd.s32 s2, s17  }
0x8e: {  	[smem:$0x3FC2] =	sst s2  }
0x8f: {  	_ = 	snop  }
0x90: {  	s2 =	sld [smem:$0x3FD0];
	(tm) =	ssettm $0x1  }
0x91: {  	s18 =	sld [smem:$0x3FFB];
	_ =	sdelay $0x3  }
0x92: {  	_ =	strace s18  }
0x93: {  	s3 =	sld [smem:$0x3FFC];
	_ =	sdelay $0x3  }
0x94: {  	_ =	strace s3  }
0x95: {  	s3 =	sld [smem:$0x3FFD];
	_ =	sdelay $0x3  }
0x96: {  	_ =	strace s3  }
0x97: {  	_ =	strace $0x8FFFFFFF  }
0x98: {  	s19 =	sld [smem:$0x3FDB];
	_ =	sdelay $0x1  }
0x99: {  	s4 =	simm.s32 $_scs_section_size  }
0x9a: {  	s5 =	simm.s32 $_size__tile_overlayer_lowered;
	s6 =	simm.s32 $_tile_overlayer_lowered  }
0x9b: {  	s22 =	simm.s32 $0x1BFF;
	s21 =	sshll.u32 s6, $0x1;
	s3 =	sadd.s32 s4, s19  }
0x9c: {  	s7 =	simm.s32 $0x0;
	s20 =	sshll.u32 s5, $0x1;
	s5 =	sadd.s32 s21, s3  }
0x9d: {  	[timem:s7], [sflag:s22] =	dma.local [hbm:s5], s20  }
0x9e: {  	_ =	swait.ge [sflag:s22], s20  }
0x9f: {  	s4 =	ssub.s32 $0x0, s20;
	[sflag:s22] =	ssyncset.done $0x0  }
0xa0: {  	[sflag:s22] =	ssyncadd.s32 s4;
	_ =	sdelay $0x1  }
0xa1: {  	s23 =	simm.s32 $0x1B8B  }
0xa2: {  	_ =	swait.ge [sflag:s23], $0x1  }
0xa3: {  	[sflag:s23] =	ssyncset.done $0x0  }
0xa4: {  	s25 =	simm.s32 $0x1B8E;
	s24 =	sld [smem:$0x3FFE];
	[sflag:s23] =	ssyncadd.s32 $0xFFFFFFFF  }
0xa5: {  	s26 =	simm.s32 $execute0_lowered;
	[smem:$0x3FD2] =	sst s25  }
0xa6: {  	s5 =	sshll.u32 s26, $0x1;
	_ =	strace $0x80000046;
	[dreg:$0x1] =	wrdreg $0xFFFFFFFF  }
0xa7: {  	s28 =	simm.s32 $_size_execute0_lowered;
	s3 =	sadd.s32 s3, s5;
	[dreg:$0x0] =	wrdreg $0x0  }
0xa8: {  	s5 =	sshll.u32 s28, $0x1;
	[dreg:$0x2] =	wrdreg s3  }
0xa9: {  	[dreg:$0x3] =	wrdreg s5  }
0xaa: {  	[dreg:$0x4] =	wrdreg $0xC0  }
0xab: {  	_ =	task [dreg:s7], $0x5FFFF  }
0xac: {  	[dreg:$0x1] =	wrdreg $0xFFFFFFFF  }
0xad: {  	[dreg:$0x0] =	wrdreg $0x60  }
0xae: {  	[dreg:$0x2] =	wrdreg s24  }
0xaf: {  	[dreg:$0x3] =	wrdreg s2  }
0xb0: {  	[dreg:$0x4] =	wrdreg $0x0  }
0xb1: {  	[dreg:$0x5] =	wrdreg $0x9  }
0xb2: {  	_ =	task.clear_ibuf [dreg:s7], $0x6FFFF;
	_ =	strace $0x90000046  }
0xb3: {  	s29 =	simm.s32 $0x9;
	_ =	strace $0x80000048  }
0xb4: {  	_ =	swait.ge [sflag:s29], $0x1  }
0xb5: {  	[sflag:s29] =	ssyncadd.s32 $0xFFFFFFFF  }
0xb6: {  	_ =	strace $0x90000048  }
0xb7: {  	_ =	sfence  }
0xb8: {  	s30 =	sld [smem:$0x0];
	_ =	sdelay $0x2  }
0xb9: {  	s31 =	sshll.u32 s1, $0xD;
	s1 =	sshrl.u32 s1, $0x2  }
0xba: {  	s3 =	sand.u32 $0x4000, s31;
	s1 =	sadd.s32 s1, s30  }
0xbb: {  	s0 =	sor.u32 s3, s0;
	s1 =	sshll.u32 s1, $0x11  }
0xbc: {  	s0 =	sor.u32 s1, s0  }
0xbd: {  	s0 =	sadd.s32 $0x8F2B, s0  }
0xbe: {  	[sflag:s0] =	ssyncadd.remote.s32 $0x1  }
0xbf: {  	_ =	sfence.sel $0xFFFF  }
0xc0: {  	[dreg:$0x0] =	wrdreg $0xFFFFFFFF;
	(pc) =	sbr.abs _section_cstart, $3  }
0xc1: {  	[dreg:$0x1] =	wrdreg $0xFFFFFFFF  }
0xc2: {  	_ =	task.clear_ibuf [dreg:s7], $0x2FFFF;
	_ =	strace $0x9FFFFFFF  }
0xc3: {  	(tm) =	ssettm $0x7FFFFFFF  }
tec
execute0_lowered:
.L_overlay_start_1:
0x0: {  	(tag) =	ssettag $0x1  }
0x1: {  	s6 =	rddreg [dreg:$0x0]  }
0x2: {  	s8 =	rddreg [dreg:$0x1]  }
0x3: {  	s0 =	srdreg.scid;
	s2 =	rddreg [dreg:$0x2]  }
0x4: {  	s1 =	rddreg [dreg:$0x3];
	s3 =	simm.s32 $0x0;
	s14 =	simm.s32 $0xC0  }
0x5: {  	s15 =	simm.s32 $0x0;
	s7 =	sand.u32 $0x1, s0;
	s0 =	stileid.u32  }
0x6: {  	[smem:$0x7FF] =	sst s3;
	s13 =	sadd.s32 $0xE200, s6;
	s4 =	smul.u32 $0x28800, s7  }
0x7: {  	s5 =	smul.u32 $0x2880, s0;
	_ =	strace $0x80000047;
	s10 =	ssub.s32 $0x2, s7  }
0x8: {  	s12 =	smul.u32 $0x2710, s0;
	s31 =	sshll.u32 s0, $0x6;
	p0 =	seq.s32 s7, $0x1  }
0x9: {  	s11 =	sshrl.u32 s10, $0x1;
	s8 =	smov.u32 @p0 s13;
	s13 =	simm.s32 $0x2720  }
0xa: {  	s4 =	sadd.s32 s5, s4;
	s5 =	sadd.s32 $0xDA00, s6;
	s10 =	ssub.s32 s10, s11  }
0xb: {  	s30 =	sadd.s32 s12, s2;
	s12 =	sshrl.u32 s12, $0x3;
	s11 =	simm.s32 $0x1  }
0xc: {  	s4 =	sshrl.u32 s4, $0x3;
	s7 =	smax.u32 s10, $0x1;
	s8 =	sadd.s32 s8, s12  }
0xd: {  	s10 =	sshrl.u32 s30, $0x3;
	s12 =	simm.s32 $0x27E0;
	s9 =	sadd.s32 s4, s6  }
0xe: {  	s4 =	sadd.s32 $0xDC00, s6;
	s6 =	sor.u32 $0x1C01, s31;
	s9 =	sadd.s32 $0x3800, s9  }
.LBB2_1:
0xf: {  	[spmem:s10], [sflag:s6] =	dma.local [hbm:s4], $0x4E2  }
0x10: {  	_ =	swait.ge [sflag:s11], $0x4E2  }
0x11: {  	[sflag:s11] =	ssyncset.done $0x0  }
0x12: {  	[sflag:s11] =	ssyncadd.s32 $0xFFFFFB1E  }
0x13: {  	[tilespmem:s12], [sflag:$0x1] =	stream.linear.gather [hbm4b:s5+s3], $0xC00, $0x38;
	[tilespmem:$0x33E0] =	vst v63  }
0x14: {  	_ =	swait.ge [sflag:s11], $0xC00  }
0x15: {  	[sflag:s11] =	ssyncset.done $0x0  }
0x16: {  	[sflag:s11] =	ssyncadd.s32 $0xFFFFF400  }
0x17: {  	s16 =	sadd.s32 $0x0, s9;
	[bflag:$0x0] =	sbarrier.arrive $0xFFFF  }
0x18: {  	[tilespmem:s13], [sflag:$0x1] =	stream.linear.gather [hbm4b:s16+s3], $0xC0, $0x38;
	[tilespmem:$0x33E0] =	vst v63  }
0x19: {  	_ =	swait.ge [sflag:s11], $0xC0  }
0x1a: {  	[sflag:s11] =	ssyncset.done $0x0  }
0x1b: {  	[sflag:s11] =	ssyncadd.s32 $0xFFFFFF40  }
0x1c: {  	[spmem:s2] =	stream.indirect.scatter.add.f32 [tilespmem:s12], [sflag:$0x1], $0x10, s13, s14, $0xb8;
	[tilespmem:$0x33E0] =	vst v63  }
0x1d: {  	_ =	swait.ge [sflag:s11], $0xC00  }
0x1e: {  	s17 =	simm.s32 $0x30;
	s16 =	simm.s32 $0x18;
	[sflag:s11] =	ssyncset.done $0x0  }
.LBB2_2:
0x1f: {  	s18 =	sadd.s32 s16, s9  }
0x20: {  	[sflag:s11] =	ssyncadd.s32 $0xFFFFF400;
	s16 =	smov.u32 s17;
	s19 =	sadd.s32 $0x18, s17  }
0x21: {  	[tilespmem:s13], [sflag:$0x1] =	stream.linear.gather [hbm4b:s18+s3], $0xC0, $0x38;
	[tilespmem:$0x33E0] =	vst v63  }
0x22: {  	p0 =	sne.s32 s17, $0x4F8;
	_ =	swait.ge [sflag:s11], $0xC0  }
.Ltmp0:
0x23: {  	[sflag:s11] =	ssyncset.done $0x0;
	(pc) =	sbr.rel @p0 .LBB2_2-.Ltmp0, $4  }
0x24: {  	[sflag:s11] =	ssyncadd.s32 $0xFFFFFF40  }
0x25: {  	[spmem:s2] =	stream.indirect.scatter.add.f32 [tilespmem:s12], [sflag:$0x1], $0x10, s13, s14, $0xb8;
	[tilespmem:$0x33E0] =	vst v63  }
0x26: {  	_ =	swait.ge [sflag:s11], $0xC00  }
0x27: {  	s17 =	smov.u32 s19;
	[sflag:s11] =	ssyncset.done $0x0  }
0x28: {  	s16 =	sadd.s32 s16, s9;
	[sflag:s11] =	ssyncadd.s32 $0xFFFFF400  }
0x29: {  	[tilespmem:s13], [sflag:$0x1] =	stream.linear.gather [hbm4b:s16+s3], $0xC0, $0x38;
	[tilespmem:$0x33E0] =	vst v63  }
0x2a: {  	_ =	swait.ge [sflag:s11], $0xC0  }
0x2b: {  	[sflag:s11] =	ssyncset.done $0x0  }
0x2c: {  	[sflag:s11] =	ssyncadd.s32 $0xFFFFFF40  }
0x2d: {  	[spmem:s2] =	stream.indirect.scatter.add.f32 [tilespmem:s12], [sflag:$0x1], $0x10, s13, s14, $0xb8;
	[tilespmem:$0x33E0] =	vst v63  }
0x2e: {  	_ =	swait.ge [sflag:s11], $0xC00  }
0x2f: {  	s15 =	sadd.s32 $0x1, s15;
	[sflag:s11] =	ssyncset.done $0x0  }
0x30: {  	p0 =	sne.s32 s15, s7;
	[sflag:s11] =	ssyncadd.s32 $0xFFFFF400  }
.Ltmp1:
0x31: {  	[bflag:$0x0] =	sbarrier.arrive $0xFFFF;
	(pc) =	sbr.rel @p0 .LBB2_1-.Ltmp1, $4  }
0x32: {  	[hbm:s8], [sflag:s6] =	dma.local [spmem:s10], $0x4E2  }
0x33: {  	_ =	swait.ge [sflag:s11], $0x4E2  }
0x34: {  	[sflag:s11] =	ssyncset.done $0x0  }
0x35: {  	[sflag:s11] =	ssyncadd.s32 $0xFFFFFB1E  }
0x36: {  	_ =	sfence.sel $0x180000  }
0x37: {  	[bflag:$0x0] =	sbarrier.arrive $0xFFFF  }
0x38: {  	p0 =	sne.s32 s0, $0x0;
	_ =	strace $0x90000047  }
0x39: {  	s0 =	sadd.s32 @!p0 $0x100000, s1;
	[bflag:$0x2] =	sbarrier.arrive $0xFFFF  }
0x3a: {  	[sflag:s0] =	ssyncadd.tile.s32 @!p0 $0x1;
	_ =	shalt  }
.Lfunc_end2:
_tile_overlayer_lowered:
.L_overlay_start_2:
0x3b: {  	(tag) =	ssettag $0x2  }
0x3c: {  	s0 =	rddreg [dreg:$0x0];
	s2 =	stileid.u32  }
0x3d: {  	s1 =	rddreg [dreg:$0x1];
	p0 =	sne.s32 s2, $0x0  }
0x3e: {  	s3 =	rddreg [dreg:$0x2];
	[bflag:$0x3] =	sbarrier.arrive $0xFFFF;
	s2 =	simm.s32 @!p0 $0x1C01  }
0x3f: {  	[timem:s3], [sflag:s2] =	dma.local @!p0 [hbm:s0], s1  }
0x40: {  	s0 =	simm.s32 @!p0 $0x1  }
0x41: {  	_ =	swait.ge @!p0 [sflag:s0], s1  }
0x42: {  	s1 =	ssub.s32 @!p0 $0x0, s1;
	[sflag:s0] =	ssyncset.done @!p0 $0x0  }
0x43: {  	[sflag:s0] =	ssyncadd.s32 @!p0 s1  }
0x44: {  	[bflag:$0x3] =	sbarrier.arrive $0xFFFF  }
0x45: {  	_ =	shalt  }

</sc_bundles>
